<compile_context>
chip_gen: v7x
topology: tpu7x:2x2x1
jax: 0.10.2.dev20260603
libtpu: 0.0.44.dev20260713+nightly
codegen_flags: <defaults>
</compile_context>

<pallas_src>
import functools

import jax
import jax.numpy as jnp
from jax import lax
from jax.experimental import pallas as pl
from jax.experimental.pallas import tpu as pltpu
from jax.experimental.pallas import tpu_sc as plsc

_SCALE = 65536.0
_N = 16777216

_NW = 32
_CHUNK = 16384
_SC_FRAC = 8
_N_SC = (_N // _NW) * _SC_FRAC
_N_TC = _N - _N_SC
_TC_BLK = 1048576



def _tables(breakpoints, intercepts, signs, exps):
    sneg = (signs < 0).astype(jnp.int32)
    packed = (intercepts << 4) | (sneg << 3) | exps
    t = jnp.where(breakpoints >= 1,
                  breakpoints.astype(jnp.float32),
                  jnp.float32(-0.99999994))
    return t, packed



def _tc_body(t_ref, pk_ref, x_ref, o_ref):
    v = x_ref[...] * _SCALE
    xq = v.astype(jnp.int32)
    T = [t_ref[i] for i in range(15)]
    P = [pk_ref[i] for i in range(16)]
    sel = jnp.where
    c1 = v >= T[7]
    c2 = v >= sel(c1, T[11], T[3])
    c3 = v >= sel(c2, sel(c1, T[13], T[5]), sel(c1, T[9], T[1]))
    c4 = v >= sel(c3,
                  sel(c2, sel(c1, T[14], T[6]), sel(c1, T[10], T[2])),
                  sel(c2, sel(c1, T[12], T[4]), sel(c1, T[8], T[0])))
    q = [sel(c4, P[2 * k + 1], P[2 * k]) for k in range(8)]
    r = [sel(c3, q[2 * k + 1], q[2 * k]) for k in range(4)]
    s = [sel(c2, r[2 * k + 1], r[2 * k]) for k in range(2)]
    p = sel(c1, s[1], s[0])
    e = p & 7
    negm = (p << 28) >> 31
    inter = p >> 4
    sh = jnp.right_shift(xq, e)
    y = inter + ((sh ^ negm) - negm)
    o_ref[...] = y.astype(jnp.float32) * (1.0 / _SCALE)


def _tc_plac(x_head, t, packed):
    n = x_head.shape[0]
    return pl.pallas_call(
        _tc_body,
        grid=(n // _TC_BLK,),
        in_specs=[
            pl.BlockSpec(memory_space=pltpu.SMEM),
            pl.BlockSpec(memory_space=pltpu.SMEM),
            pl.BlockSpec((_TC_BLK,), lambda i: (i,)),
        ],
        out_specs=pl.BlockSpec((_TC_BLK,), lambda i: (i,)),
        out_shape=jax.ShapeDtypeStruct((n,), jnp.float32),
    )(t, packed, x_head)



_GDN = lax.GatherDimensionNumbers(
    offset_dims=(), collapsed_slice_dims=(0,), start_index_map=(0,))


def _vgather(vec, idx):
    return lax.gather(vec, idx[:, None], _GDN, (1,),
                      mode=lax.GatherScatterMode.PROMISE_IN_BOUNDS)


def _sc_eval_vec(xv, tvec, pvec):
    v = xv * _SCALE
    xq = v.astype(jnp.int32)
    seg = jnp.zeros((16,), jnp.int32)
    for w in (8, 4, 2, 1):
        bpv = _vgather(tvec, seg + (w - 1))
        seg = seg + jnp.where(v >= bpv, w, 0)
    p = _vgather(pvec, seg)
    e = p & 7
    negm = (p << 28) >> 31
    inter = p >> 4
    sh = jnp.right_shift(xq, e)
    y = inter + ((sh ^ negm) - negm)
    return y.astype(jnp.float32) * (1.0 / _SCALE)


def _sc_plac(x_tail, t16, pk16):
    n = x_tail.shape[0]
    shard = n // _NW
    nchunk = shard // _CHUNK
    vpc = _CHUNK // 16
    unroll = 4
    mesh = plsc.VectorSubcoreMesh(core_axis_name="c", subcore_axis_name="s")

    @functools.partial(
        pl.kernel,
        mesh=mesh,
        out_type=jax.ShapeDtypeStruct((n,), jnp.float32),
        scratch_types=[
            pltpu.VMEM((16,), jnp.float32),
            pltpu.VMEM((16,), jnp.int32),
            pltpu.VMEM((_CHUNK,), jnp.float32),
            pltpu.VMEM((_CHUNK,), jnp.float32),
            pltpu.VMEM((_CHUNK,), jnp.float32),
            pltpu.VMEM((_CHUNK,), jnp.float32),
            pltpu.SemaphoreType.DMA,
            pltpu.SemaphoreType.DMA,
            pltpu.SemaphoreType.DMA,
            pltpu.SemaphoreType.DMA,
        ],
    )
    def k(t_hbm, pk_hbm, x_hbm, o_hbm, tv, pkv,
          in0, in1, out0, out1, isem0, isem1, osem0, osem1):
        wid = lax.axis_index("s") * 2 + lax.axis_index("c")
        base = wid * shard
        pltpu.sync_copy(t_hbm, tv)
        pltpu.sync_copy(pk_hbm, pkv)
        tvec = tv[...]
        pvec = pkv[...]

        def in_copy(g, buf, sem):
            return pltpu.make_async_copy(
                x_hbm.at[pl.ds(base + g * _CHUNK, _CHUNK)], buf, sem)

        def out_copy(g, buf, sem):
            return pltpu.make_async_copy(
                buf, o_hbm.at[pl.ds(base + g * _CHUNK, _CHUNK)], sem)

        def compute(inb, outb):
            def vec_body(j, c2):
                for u in range(unroll):
                    s = (j * unroll + u) * 16
                    outb[pl.ds(s, 16)] = _sc_eval_vec(inb[pl.ds(s, 16)], tvec, pvec)
                return c2
            lax.fori_loop(0, vpc // unroll, vec_body, 0)

        in_copy(0, in0, isem0).start()

        def pair_body(g2, carry):
            g = g2 * 2
            in_copy(g, in0, isem0).wait()
            in_copy(g + 1, in1, isem1).start()
            compute(in0, out0)
            out_copy(g, out0, osem0).start()
            in_copy(g + 1, in1, isem1).wait()
            gnext = jnp.minimum(g + 2, nchunk - 1)
            in_copy(gnext, in0, isem0).start()
            compute(in1, out1)
            out_copy(g + 1, out1, osem1).start()
            out_copy(g, out0, osem0).wait()
            out_copy(g + 1, out1, osem1).wait()
            return carry

        lax.fori_loop(0, nchunk // 2, pair_body, 0)
        in_copy(0, in0, isem0).wait()

    return k(t16, pk16, x_tail)



def kernel(x, breakpoints, intercepts, signs, exps):
    t, packed = _tables(breakpoints, intercepts, signs, exps)
    t16 = jnp.concatenate([t, jnp.full((1,), jnp.inf, jnp.float32)])
    return _sc_plac(x, t16, packed)

# --- scband reference (transcript-rebuilt; emitter-appended) ---
"""Pipeline reference for scband-placmodule-56384330662109 (READ-ONLY COPY).

The authoritative reference and input builder live on the scoring server;
editing this copy changes nothing except your own understanding.
"""

import jax, jax.numpy as jnp
import numpy as np

SCALE = 65536.0


def setup_inputs(seed: int = 0) -> dict:
    key = jax.random.key(seed)
    k1, k2, k3, k4, k5 = jax.random.split(key, 5)
    N = 16777216
    n_segments = 16
    x = jax.random.normal(k1, (N,), dtype=jnp.float32)
    # Q16 breakpoints (sorted, one fewer than segments)
    breakpoints = jnp.sort(jax.random.randint(k2, (n_segments - 1,), 0, 200000, dtype=jnp.int32))
    intercepts = jax.random.randint(k3, (n_segments,), -65536, 65536, dtype=jnp.int32)
    signs = (2 * jax.random.randint(k4, (n_segments,), 0, 2, dtype=jnp.int32) - 1).astype(jnp.int32)
    exps = jax.random.randint(k5, (n_segments,), 0, 8, dtype=jnp.int32)
    return {"x": x, "breakpoints": breakpoints, "intercepts": intercepts, "signs": signs, "exps": exps}


def _plac_int32(x_q16, breakpoints, intercepts, signs, exps):
    # bin each Q16 value into a segment (histogram-style binning)
    seg = jnp.searchsorted(breakpoints, x_q16, side='right')
    inter = jnp.take(intercepts, seg)
    sgn = jnp.take(signs, seg)
    e = jnp.take(exps, seg)
    # piecewise-linear eval with power-of-two slopes: y = intercept + sign * (x >> exp)
    return inter + sgn * jnp.right_shift(x_q16, e)


def reference(x, breakpoints, intercepts, signs, exps):
    # x.detach().float() * SCALE -> int32 (Q16 quantization)
    x_q16 = (x * SCALE).astype(jnp.int32)
    y_q16 = _plac_int32(x_q16, breakpoints, intercepts, signs, exps)
    return (y_q16.astype(jnp.float32) / SCALE).astype(x.dtype)

if __name__ == "__main__":
    import jax
    _d = setup_inputs()
    print(jax.jit(kernel)(*tuple(_d.values())))

</pallas_src>

<mosaic_0001>
#map = affine_map<(d0, d1) -> (0)>
module attributes {stable_mosaic.version = 14 : i64} {
  func.func @k(%arg0: i32, %arg1: i32, %arg2: memref<16xf32, #tpu.memory_space<hbm>>, %arg3: memref<16xi32, #tpu.memory_space<hbm>>, %arg4: memref<16777216xf32, #tpu.memory_space<hbm>>, %arg5: memref<16777216xf32, #tpu.memory_space<hbm>>, %arg6: memref<16xf32, #tpu.memory_space<vmem>>, %arg7: memref<16xi32, #tpu.memory_space<vmem>>, %arg8: memref<16384xf32, #tpu.memory_space<vmem>>, %arg9: memref<16384xf32, #tpu.memory_space<vmem>>, %arg10: memref<16384xf32, #tpu.memory_space<vmem>>, %arg11: memref<16384xf32, #tpu.memory_space<vmem>>, %arg12: memref<!tpu.dma_semaphore, #tpu.memory_space<semaphore_mem>>, %arg13: memref<!tpu.dma_semaphore, #tpu.memory_space<semaphore_mem>>, %arg14: memref<!tpu.dma_semaphore, #tpu.memory_space<semaphore_mem>>, %arg15: memref<!tpu.dma_semaphore, #tpu.memory_space<semaphore_mem>>) attributes {dimension_semantics = [#tpu.dimension_semantics<core_parallel>, #tpu.dimension_semantics<subcore_parallel>], iteration_bounds = array<i64: 2, 16>, scalar_prefetch = 0 : i64, scratch_operands = 10 : i64, tpu.core_type = #tpu.core_type<sc_vector_subcore>, window_params = [{transform_indices = #map}, {transform_indices = #map}, {transform_indices = #map}, {transform_indices = #map}]} {
    %mul3A = arith.constant 2 : i32
    %mul3A_0 = arith.muli %arg1, %mul3A : i32
    %add3A = arith.addi %mul3A_0, %arg0 : i32
    %mul3A_1 = arith.constant 524288 : i32
    %mul3A_2 = arith.muli %add3A, %mul3A_1 : i32
    "tpu.region"() ({
      %run_scoped3A = tpu.sem_alloc : memref<!tpu.dma_semaphore, #tpu.memory_space<semaphore_mem>>
      tpu.enqueue_dma source(%arg2 : memref<16xf32, #tpu.memory_space<hbm>>) target(%arg6 : memref<16xf32, #tpu.memory_space<vmem>>) target_semaphore(%run_scoped3A : memref<!tpu.dma_semaphore, #tpu.memory_space<semaphore_mem>>)
      tpu.wait_dma2 semaphore(%run_scoped3A : memref<!tpu.dma_semaphore, #tpu.memory_space<semaphore_mem>>) src(%arg2 : memref<16xf32, #tpu.memory_space<hbm>>) dst(%arg6 : memref<16xf32, #tpu.memory_space<vmem>>)
      tpu.yield
    }) : () -> ()
    "tpu.region"() ({
      %run_scoped3A = tpu.sem_alloc : memref<!tpu.dma_semaphore, #tpu.memory_space<semaphore_mem>>
      tpu.enqueue_dma source(%arg3 : memref<16xi32, #tpu.memory_space<hbm>>) target(%arg7 : memref<16xi32, #tpu.memory_space<vmem>>) target_semaphore(%run_scoped3A : memref<!tpu.dma_semaphore, #tpu.memory_space<semaphore_mem>>)
      tpu.wait_dma2 semaphore(%run_scoped3A : memref<!tpu.dma_semaphore, #tpu.memory_space<semaphore_mem>>) src(%arg3 : memref<16xi32, #tpu.memory_space<hbm>>) dst(%arg7 : memref<16xi32, #tpu.memory_space<vmem>>)
      tpu.yield
    }) : () -> ()
    %get3A = arith.constant 0 : index
    %get3A_3 = tpu.vector_load %arg6[%get3A] {strides = array<i32>} : memref<16xf32, #tpu.memory_space<vmem>>, vector<16xf32>,
    %get3A_4 = vector.shape_cast %get3A_3 : vector<16xf32> to vector<16xf32>
    %get3A_5 = arith.constant 0 : index
    %get3A_6 = tpu.vector_load %arg7[%get3A_5] {strides = array<i32>} : memref<16xi32, #tpu.memory_space<vmem>>, vector<16xi32>,
    %get3A_7 = vector.shape_cast %get3A_6 : vector<16xi32> to vector<16xi32>
    %add3A_8 = arith.constant 0 : i32
    %add3A_9 = arith.addi %mul3A_2, %add3A_8 : i32
    %dma_start3A = tpu.memref_slice %arg4[%add3A_9] : memref<16777216xf32, #tpu.memory_space<hbm>> -> memref<16384xf32, #tpu.memory_space<hbm>>
    %dma_start3A_10 = tpu.memref_slice %arg4[%add3A_9] : memref<16777216xf32, #tpu.memory_space<hbm>> -> memref<16384xf32, #tpu.memory_space<hbm>>
    tpu.enqueue_dma source(%dma_start3A_10 : memref<16384xf32, #tpu.memory_space<hbm>>) target(%arg8 : memref<16384xf32, #tpu.memory_space<vmem>>) target_semaphore(%arg12 : memref<!tpu.dma_semaphore, #tpu.memory_space<semaphore_mem>>)
    %scan3A = arith.constant 0 : i32
    %scan3A_11 = arith.constant 0 : i32
    %scan3A_12 = arith.constant 16 : i32
    %scan3A_13 = arith.addi %scan3A_11, %scan3A_12 : i32
    %scan3A_14 = arith.constant 1 : i32
    scf.for %scan3A_19 = %scan3A_11 to %scan3A_13 step %scan3A_14  : i32 {
      %mul3A_20 = arith.constant 2 : i32
      %mul3A_21 = arith.muli %scan3A_19, %mul3A_20 : i32
      %mul3A_22 = arith.constant 16384 : i32
      %mul3A_23 = arith.muli %mul3A_21, %mul3A_22 : i32
      %add3A_24 = arith.addi %mul3A_2, %mul3A_23 : i32
      %dma_wait3A_25 = tpu.memref_slice %arg4[%add3A_24] : memref<16777216xf32, #tpu.memory_space<hbm>> -> memref<16384xf32, #tpu.memory_space<hbm>>
      %dma_wait3A_26 = tpu.memref_slice %arg4[%add3A_24] : memref<16777216xf32, #tpu.memory_space<hbm>> -> memref<16384xf32, #tpu.memory_space<hbm>>
      tpu.wait_dma2 semaphore(%arg12 : memref<!tpu.dma_semaphore, #tpu.memory_space<semaphore_mem>>) src(%dma_wait3A_26 : memref<16384xf32, #tpu.memory_space<hbm>>) dst(%arg8 : memref<16384xf32, #tpu.memory_space<vmem>>)
      %add3A_27 = arith.constant 1 : i32
      %add3A_28 = arith.addi %mul3A_21, %add3A_27 : i32
      %mul3A_29 = arith.constant 16384 : i32
      %mul3A_30 = arith.muli %add3A_28, %mul3A_29 : i32
      %add3A_31 = arith.addi %mul3A_2, %mul3A_30 : i32
      %dma_start3A_32 = tpu.memref_slice %arg4[%add3A_31] : memref<16777216xf32, #tpu.memory_space<hbm>> -> memref<16384xf32, #tpu.memory_space<hbm>>
      %dma_start3A_33 = tpu.memref_slice %arg4[%add3A_31] : memref<16777216xf32, #tpu.memory_space<hbm>> -> memref<16384xf32, #tpu.memory_space<hbm>>
      tpu.enqueue_dma source(%dma_start3A_33 : memref<16384xf32, #tpu.memory_space<hbm>>) target(%arg9 : memref<16384xf32, #tpu.memory_space<vmem>>) target_semaphore(%arg13 : memref<!tpu.dma_semaphore, #tpu.memory_space<semaphore_mem>>)
      %scan3A_34 = arith.constant 0 : i32
      %scan3A_35 = arith.constant 0 : i32
      %scan3A_36 = arith.constant 256 : i32
      %scan3A_37 = arith.addi %scan3A_35, %scan3A_36 : i32
      %scan3A_38 = arith.constant 1 : i32
      scf.for %scan3A_85 = %scan3A_35 to %scan3A_37 step %scan3A_38  : i32 {
        %mul3A_86 = arith.constant 4 : i32
        %mul3A_87 = arith.muli %scan3A_85, %mul3A_86 : i32
        %add3A_88 = arith.constant 0 : i32
        %add3A_89 = arith.addi %mul3A_87, %add3A_88 : i32
        %mul3A_90 = arith.constant 16 : i32
        %mul3A_91 = arith.muli %add3A_89, %mul3A_90 : i32
        %get3A_92 = arith.index_cast %mul3A_91 : i32 to index
        %get3A_93 = tpu.vector_load %arg8[%get3A_92] {strides = array<i32>} : memref<16384xf32, #tpu.memory_space<vmem>>, vector<16xf32>,
        %get3A_94 = vector.shape_cast %get3A_93 : vector<16xf32> to vector<16xf32>
        %mul3A_95 = arith.constant 6.553600e+04 : f32
        %mul3A_96 = vector.broadcast %mul3A_95 : f32 to vector<16xf32>
        %mul3A_97 = arith.mulf %get3A_94, %mul3A_96 : vector<16xf32>
        %convert_element_type3A = arith.fptosi %mul3A_97 : vector<16xf32> to vector<16xi32>
        %broadcast_in_dim3A = arith.constant 0 : i32
        %broadcast_in_dim3A_98 = vector.broadcast %broadcast_in_dim3A : i32 to vector<16xi32>
        %add3A_99 = arith.constant 7 : i32
        %add3A_100 = vector.broadcast %add3A_99 : i32 to vector<16xi32>
        %add3A_101 = arith.addi %broadcast_in_dim3A_98, %add3A_100 : vector<16xi32>
        %broadcast_in_dim3A_102 = vector.shape_cast %add3A_101 : vector<16xi32> to vector<16x1xi32>
        %gather3A = vector.shape_cast %broadcast_in_dim3A_102 : vector<16x1xi32> to vector<16xi32>
        %gather3A_103 = tpu.dynamic_gather %get3A_4[%gather3A] in [0] : vector<16xf32>, vector<16xi32> -> vector<16xf32>
        %ge3A = arith.cmpf oge, %mul3A_97, %gather3A_103 : vector<16xf32>
        %jit3A = arith.constant 8 : i32
        %jit3A_104 = arith.constant 0 : i32
        %broadcast_in_dim3A_105 = vector.broadcast %jit3A : i32 to vector<16xi32>
        %broadcast_in_dim3A_106 = vector.broadcast %jit3A_104 : i32 to vector<16xi32>
        %select_n3A = arith.select %ge3A, %broadcast_in_dim3A_105, %broadcast_in_dim3A_106 : vector<16xi1>, vector<16xi32>
        %add3A_107 = arith.addi %broadcast_in_dim3A_98, %select_n3A : vector<16xi32>
        %add3A_108 = arith.constant 3 : i32
        %add3A_109 = vector.broadcast %add3A_108 : i32 to vector<16xi32>
        %add3A_110 = arith.addi %add3A_107, %add3A_109 : vector<16xi32>
        %broadcast_in_dim3A_111 = vector.shape_cast %add3A_110 : vector<16xi32> to vector<16x1xi32>
        %gather3A_112 = vector.shape_cast %broadcast_in_dim3A_111 : vector<16x1xi32> to vector<16xi32>
        %gather3A_113 = tpu.dynamic_gather %get3A_4[%gather3A_112] in [0] : vector<16xf32>, vector<16xi32> -> vector<16xf32>
        %ge3A_114 = arith.cmpf oge, %mul3A_97, %gather3A_113 : vector<16xf32>
        %jit3A_115 = arith.constant 4 : i32
        %jit3A_116 = arith.constant 0 : i32
        %broadcast_in_dim3A_117 = vector.broadcast %jit3A_115 : i32 to vector<16xi32>
        %broadcast_in_dim3A_118 = vector.broadcast %jit3A_116 : i32 to vector<16xi32>
        %select_n3A_119 = arith.select %ge3A_114, %broadcast_in_dim3A_117, %broadcast_in_dim3A_118 : vector<16xi1>, vector<16xi32>
        %add3A_120 = arith.addi %add3A_107, %select_n3A_119 : vector<16xi32>
        %add3A_121 = arith.constant 1 : i32
        %add3A_122 = vector.broadcast %add3A_121 : i32 to vector<16xi32>
        %add3A_123 = arith.addi %add3A_120, %add3A_122 : vector<16xi32>
        %broadcast_in_dim3A_124 = vector.shape_cast %add3A_123 : vector<16xi32> to vector<16x1xi32>
        %gather3A_125 = vector.shape_cast %broadcast_in_dim3A_124 : vector<16x1xi32> to vector<16xi32>
        %gather3A_126 = tpu.dynamic_gather %get3A_4[%gather3A_125] in [0] : vector<16xf32>, vector<16xi32> -> vector<16xf32>
        %ge3A_127 = arith.cmpf oge, %mul3A_97, %gather3A_126 : vector<16xf32>
        %jit3A_128 = arith.constant 2 : i32
        %jit3A_129 = arith.constant 0 : i32
        %broadcast_in_dim3A_130 = vector.broadcast %jit3A_128 : i32 to vector<16xi32>
        %broadcast_in_dim3A_131 = vector.broadcast %jit3A_129 : i32 to vector<16xi32>
        %select_n3A_132 = arith.select %ge3A_127, %broadcast_in_dim3A_130, %broadcast_in_dim3A_131 : vector<16xi1>, vector<16xi32>
        %add3A_133 = arith.addi %add3A_120, %select_n3A_132 : vector<16xi32>
        %add3A_134 = arith.constant 0 : i32
        %add3A_135 = vector.broadcast %add3A_134 : i32 to vector<16xi32>
        %add3A_136 = arith.addi %add3A_133, %add3A_135 : vector<16xi32>
        %broadcast_in_dim3A_137 = vector.shape_cast %add3A_136 : vector<16xi32> to vector<16x1xi32>
        %gather3A_138 = vector.shape_cast %broadcast_in_dim3A_137 : vector<16x1xi32> to vector<16xi32>
        %gather3A_139 = tpu.dynamic_gather %get3A_4[%gather3A_138] in [0] : vector<16xf32>, vector<16xi32> -> vector<16xf32>
        %ge3A_140 = arith.cmpf oge, %mul3A_97, %gather3A_139 : vector<16xf32>
        %jit3A_141 = arith.constant 1 : i32
        %jit3A_142 = arith.constant 0 : i32
        %broadcast_in_dim3A_143 = vector.broadcast %jit3A_141 : i32 to vector<16xi32>
        %broadcast_in_dim3A_144 = vector.broadcast %jit3A_142 : i32 to vector<16xi32>
        %select_n3A_145 = arith.select %ge3A_140, %broadcast_in_dim3A_143, %broadcast_in_dim3A_144 : vector<16xi1>, vector<16xi32>
        %add3A_146 = arith.addi %add3A_133, %select_n3A_145 : vector<16xi32>
        %broadcast_in_dim3A_147 = vector.shape_cast %add3A_146 : vector<16xi32> to vector<16x1xi32>
        %gather3A_148 = vector.shape_cast %broadcast_in_dim3A_147 : vector<16x1xi32> to vector<16xi32>
        %gather3A_149 = tpu.dynamic_gather %get3A_7[%gather3A_148] in [0] : vector<16xi32>, vector<16xi32> -> vector<16xi32>
        %and3A = arith.constant 7 : i32
        %and3A_150 = vector.broadcast %and3A : i32 to vector<16xi32>
        %and3A_151 = arith.andi %gather3A_149, %and3A_150 : vector<16xi32>
        %shift_left3A = arith.constant 28 : i32
        %shift_left3A_152 = vector.broadcast %shift_left3A : i32 to vector<16xi32>
        %shift_left3A_153 = arith.shli %gather3A_149, %shift_left3A_152 : vector<16xi32>
        %shift_right_arithmetic3A = arith.constant 31 : i32
        %shift_right_arithmetic3A_154 = vector.broadcast %shift_right_arithmetic3A : i32 to vector<16xi32>
        %shift_right_arithmetic3A_155 = arith.shrsi %shift_left3A_153, %shift_right_arithmetic3A_154 : vector<16xi32>
        %shift_right_arithmetic3A_156 = arith.constant 4 : i32
        %shift_right_arithmetic3A_157 = vector.broadcast %shift_right_arithmetic3A_156 : i32 to vector<16xi32>
        %shift_right_arithmetic3A_158 = arith.shrsi %gather3A_149, %shift_right_arithmetic3A_157 : vector<16xi32>
        %shift_right_arithmetic3A_159 = arith.shrsi %convert_element_type3A, %and3A_151 : vector<16xi32>
        %xor3A = arith.xori %shift_right_arithmetic3A_159, %shift_right_arithmetic3A_155 : vector<16xi32>
        %sub3A = arith.subi %xor3A, %shift_right_arithmetic3A_155 : vector<16xi32>
        %add3A_160 = arith.addi %shift_right_arithmetic3A_158, %sub3A : vector<16xi32>
        %convert_element_type3A_161 = arith.sitofp %add3A_160 : vector<16xi32> to vector<16xf32>
        %mul3A_162 = arith.constant 1.52587891E-5 : f32
        %mul3A_163 = vector.broadcast %mul3A_162 : f32 to vector<16xf32>
        %mul3A_164 = arith.mulf %convert_element_type3A_161, %mul3A_163 : vector<16xf32>
        %swap3A = arith.index_cast %mul3A_91 : i32 to index
        %swap3A_165 = tpu.vector_load %arg10[%swap3A] {strides = array<i32>} : memref<16384xf32, #tpu.memory_space<vmem>>, vector<16xf32>,
        %swap3A_166 = vector.shape_cast %swap3A_165 : vector<16xf32> to vector<16xf32>
        %swap3A_167 = vector.shape_cast %mul3A_164 : vector<16xf32> to vector<16xf32>
        tpu.vector_store %arg10[%swap3A], %swap3A_167 {strides = array<i32>} : memref<16384xf32, #tpu.memory_space<vmem>>, vector<16xf32>,
        %mul3A_168 = arith.constant 4 : i32
        %mul3A_169 = arith.muli %scan3A_85, %mul3A_168 : i32
        %add3A_170 = arith.constant 1 : i32
        %add3A_171 = arith.addi %mul3A_169, %add3A_170 : i32
        %mul3A_172 = arith.constant 16 : i32
        %mul3A_173 = arith.muli %add3A_171, %mul3A_172 : i32
        %get3A_174 = arith.index_cast %mul3A_173 : i32 to index
        %get3A_175 = tpu.vector_load %arg8[%get3A_174] {strides = array<i32>} : memref<16384xf32, #tpu.memory_space<vmem>>, vector<16xf32>,
        %get3A_176 = vector.shape_cast %get3A_175 : vector<16xf32> to vector<16xf32>
        %mul3A_177 = arith.constant 6.553600e+04 : f32
        %mul3A_178 = vector.broadcast %mul3A_177 : f32 to vector<16xf32>
        %mul3A_179 = arith.mulf %get3A_176, %mul3A_178 : vector<16xf32>
        %convert_element_type3A_180 = arith.fptosi %mul3A_179 : vector<16xf32> to vector<16xi32>
        %broadcast_in_dim3A_181 = arith.constant 0 : i32
        %broadcast_in_dim3A_182 = vector.broadcast %broadcast_in_dim3A_181 : i32 to vector<16xi32>
        %add3A_183 = arith.constant 7 : i32
        %add3A_184 = vector.broadcast %add3A_183 : i32 to vector<16xi32>
        %add3A_185 = arith.addi %broadcast_in_dim3A_182, %add3A_184 : vector<16xi32>
        %broadcast_in_dim3A_186 = vector.shape_cast %add3A_185 : vector<16xi32> to vector<16x1xi32>
        %gather3A_187 = vector.shape_cast %broadcast_in_dim3A_186 : vector<16x1xi32> to vector<16xi32>
        %gather3A_188 = tpu.dynamic_gather %get3A_4[%gather3A_187] in [0] : vector<16xf32>, vector<16xi32> -> vector<16xf32>
        %ge3A_189 = arith.cmpf oge, %mul3A_179, %gather3A_188 : vector<16xf32>
        %jit3A_190 = arith.constant 8 : i32
        %jit3A_191 = arith.constant 0 : i32
        %broadcast_in_dim3A_192 = vector.broadcast %jit3A_190 : i32 to vector<16xi32>
        %broadcast_in_dim3A_193 = vector.broadcast %jit3A_191 : i32 to vector<16xi32>
        %select_n3A_194 = arith.select %ge3A_189, %broadcast_in_dim3A_192, %broadcast_in_dim3A_193 : vector<16xi1>, vector<16xi32>
        %add3A_195 = arith.addi %broadcast_in_dim3A_182, %select_n3A_194 : vector<16xi32>
        %add3A_196 = arith.constant 3 : i32
        %add3A_197 = vector.broadcast %add3A_196 : i32 to vector<16xi32>
        %add3A_198 = arith.addi %add3A_195, %add3A_197 : vector<16xi32>
        %broadcast_in_dim3A_199 = vector.shape_cast %add3A_198 : vector<16xi32> to vector<16x1xi32>
        %gather3A_200 = vector.shape_cast %broadcast_in_dim3A_199 : vector<16x1xi32> to vector<16xi32>
        %gather3A_201 = tpu.dynamic_gather %get3A_4[%gather3A_200] in [0] : vector<16xf32>, vector<16xi32> -> vector<16xf32>
        %ge3A_202 = arith.cmpf oge, %mul3A_179, %gather3A_201 : vector<16xf32>
        %jit3A_203 = arith.constant 4 : i32
        %jit3A_204 = arith.constant 0 : i32
        %broadcast_in_dim3A_205 = vector.broadcast %jit3A_203 : i32 to vector<16xi32>
        %broadcast_in_dim3A_206 = vector.broadcast %jit3A_204 : i32 to vector<16xi32>
        %select_n3A_207 = arith.select %ge3A_202, %broadcast_in_dim3A_205, %broadcast_in_dim3A_206 : vector<16xi1>, vector<16xi32>
        %add3A_208 = arith.addi %add3A_195, %select_n3A_207 : vector<16xi32>
        %add3A_209 = arith.constant 1 : i32
        %add3A_210 = vector.broadcast %add3A_209 : i32 to vector<16xi32>
        %add3A_211 = arith.addi %add3A_208, %add3A_210 : vector<16xi32>
        %broadcast_in_dim3A_212 = vector.shape_cast %add3A_211 : vector<16xi32> to vector<16x1xi32>
        %gather3A_213 = vector.shape_cast %broadcast_in_dim3A_212 : vector<16x1xi32> to vector<16xi32>
        %gather3A_214 = tpu.dynamic_gather %get3A_4[%gather3A_213] in [0] : vector<16xf32>, vector<16xi32> -> vector<16xf32>
        %ge3A_215 = arith.cmpf oge, %mul3A_179, %gather3A_214 : vector<16xf32>
        %jit3A_216 = arith.constant 2 : i32
        %jit3A_217 = arith.constant 0 : i32
        %broadcast_in_dim3A_218 = vector.broadcast %jit3A_216 : i32 to vector<16xi32>
        %broadcast_in_dim3A_219 = vector.broadcast %jit3A_217 : i32 to vector<16xi32>
        %select_n3A_220 = arith.select %ge3A_215, %broadcast_in_dim3A_218, %broadcast_in_dim3A_219 : vector<16xi1>, vector<16xi32>
        %add3A_221 = arith.addi %add3A_208, %select_n3A_220 : vector<16xi32>
        %add3A_222 = arith.constant 0 : i32
        %add3A_223 = vector.broadcast %add3A_222 : i32 to vector<16xi32>
        %add3A_224 = arith.addi %add3A_221, %add3A_223 : vector<16xi32>
        %broadcast_in_dim3A_225 = vector.shape_cast %add3A_224 : vector<16xi32> to vector<16x1xi32>
        %gather3A_226 = vector.shape_cast %broadcast_in_dim3A_225 : vector<16x1xi32> to vector<16xi32>
        %gather3A_227 = tpu.dynamic_gather %get3A_4[%gather3A_226] in [0] : vector<16xf32>, vector<16xi32> -> vector<16xf32>
        %ge3A_228 = arith.cmpf oge, %mul3A_179, %gather3A_227 : vector<16xf32>
        %jit3A_229 = arith.constant 1 : i32
        %jit3A_230 = arith.constant 0 : i32
        %broadcast_in_dim3A_231 = vector.broadcast %jit3A_229 : i32 to vector<16xi32>
        %broadcast_in_dim3A_232 = vector.broadcast %jit3A_230 : i32 to vector<16xi32>
        %select_n3A_233 = arith.select %ge3A_228, %broadcast_in_dim3A_231, %broadcast_in_dim3A_232 : vector<16xi1>, vector<16xi32>
        %add3A_234 = arith.addi %add3A_221, %select_n3A_233 : vector<16xi32>
        %broadcast_in_dim3A_235 = vector.shape_cast %add3A_234 : vector<16xi32> to vector<16x1xi32>
        %gather3A_236 = vector.shape_cast %broadcast_in_dim3A_235 : vector<16x1xi32> to vector<16xi32>
        %gather3A_237 = tpu.dynamic_gather %get3A_7[%gather3A_236] in [0] : vector<16xi32>, vector<16xi32> -> vector<16xi32>
        %and3A_238 = arith.constant 7 : i32
        %and3A_239 = vector.broadcast %and3A_238 : i32 to vector<16xi32>
        %and3A_240 = arith.andi %gather3A_237, %and3A_239 : vector<16xi32>
        %shift_left3A_241 = arith.constant 28 : i32
        %shift_left3A_242 = vector.broadcast %shift_left3A_241 : i32 to vector<16xi32>
        %shift_left3A_243 = arith.shli %gather3A_237, %shift_left3A_242 : vector<16xi32>
        %shift_right_arithmetic3A_244 = arith.constant 31 : i32
        %shift_right_arithmetic3A_245 = vector.broadcast %shift_right_arithmetic3A_244 : i32 to vector<16xi32>
        %shift_right_arithmetic3A_246 = arith.shrsi %shift_left3A_243, %shift_right_arithmetic3A_245 : vector<16xi32>
        %shift_right_arithmetic3A_247 = arith.constant 4 : i32
        %shift_right_arithmetic3A_248 = vector.broadcast %shift_right_arithmetic3A_247 : i32 to vector<16xi32>
        %shift_right_arithmetic3A_249 = arith.shrsi %gather3A_237, %shift_right_arithmetic3A_248 : vector<16xi32>
        %shift_right_arithmetic3A_250 = arith.shrsi %convert_element_type3A_180, %and3A_240 : vector<16xi32>
        %xor3A_251 = arith.xori %shift_right_arithmetic3A_250, %shift_right_arithmetic3A_246 : vector<16xi32>
        %sub3A_252 = arith.subi %xor3A_251, %shift_right_arithmetic3A_246 : vector<16xi32>
        %add3A_253 = arith.addi %shift_right_arithmetic3A_249, %sub3A_252 : vector<16xi32>
        %convert_element_type3A_254 = arith.sitofp %add3A_253 : vector<16xi32> to vector<16xf32>
        %mul3A_255 = arith.constant 1.52587891E-5 : f32
        %mul3A_256 = vector.broadcast %mul3A_255 : f32 to vector<16xf32>
        %mul3A_257 = arith.mulf %convert_element_type3A_254, %mul3A_256 : vector<16xf32>
        %swap3A_258 = arith.index_cast %mul3A_173 : i32 to index
        %swap3A_259 = tpu.vector_load %arg10[%swap3A_258] {strides = array<i32>} : memref<16384xf32, #tpu.memory_space<vmem>>, vector<16xf32>,
        %swap3A_260 = vector.shape_cast %swap3A_259 : vector<16xf32> to vector<16xf32>
        %swap3A_261 = vector.shape_cast %mul3A_257 : vector<16xf32> to vector<16xf32>
        tpu.vector_store %arg10[%swap3A_258], %swap3A_261 {strides = array<i32>} : memref<16384xf32, #tpu.memory_space<vmem>>, vector<16xf32>,
        %mul3A_262 = arith.constant 4 : i32
        %mul3A_263 = arith.muli %scan3A_85, %mul3A_262 : i32
        %add3A_264 = arith.constant 2 : i32
        %add3A_265 = arith.addi %mul3A_263, %add3A_264 : i32
        %mul3A_266 = arith.constant 16 : i32
        %mul3A_267 = arith.muli %add3A_265, %mul3A_266 : i32
        %get3A_268 = arith.index_cast %mul3A_267 : i32 to index
        %get3A_269 = tpu.vector_load %arg8[%get3A_268] {strides = array<i32>} : memref<16384xf32, #tpu.memory_space<vmem>>, vector<16xf32>,
        %get3A_270 = vector.shape_cast %get3A_269 : vector<16xf32> to vector<16xf32>
        %mul3A_271 = arith.constant 6.553600e+04 : f32
        %mul3A_272 = vector.broadcast %mul3A_271 : f32 to vector<16xf32>
        %mul3A_273 = arith.mulf %get3A_270, %mul3A_272 : vector<16xf32>
        %convert_element_type3A_274 = arith.fptosi %mul3A_273 : vector<16xf32> to vector<16xi32>
        %broadcast_in_dim3A_275 = arith.constant 0 : i32
        %broadcast_in_dim3A_276 = vector.broadcast %broadcast_in_dim3A_275 : i32 to vector<16xi32>
        %add3A_277 = arith.constant 7 : i32
        %add3A_278 = vector.broadcast %add3A_277 : i32 to vector<16xi32>
        %add3A_279 = arith.addi %broadcast_in_dim3A_276, %add3A_278 : vector<16xi32>
        %broadcast_in_dim3A_280 = vector.shape_cast %add3A_279 : vector<16xi32> to vector<16x1xi32>
        %gather3A_281 = vector.shape_cast %broadcast_in_dim3A_280 : vector<16x1xi32> to vector<16xi32>
        %gather3A_282 = tpu.dynamic_gather %get3A_4[%gather3A_281] in [0] : vector<16xf32>, vector<16xi32> -> vector<16xf32>
        %ge3A_283 = arith.cmpf oge, %mul3A_273, %gather3A_282 : vector<16xf32>
        %jit3A_284 = arith.constant 8 : i32
        %jit3A_285 = arith.constant 0 : i32
        %broadcast_in_dim3A_286 = vector.broadcast %jit3A_284 : i32 to vector<16xi32>
        %broadcast_in_dim3A_287 = vector.broadcast %jit3A_285 : i32 to vector<16xi32>
        %select_n3A_288 = arith.select %ge3A_283, %broadcast_in_dim3A_286, %broadcast_in_dim3A_287 : vector<16xi1>, vector<16xi32>
        %add3A_289 = arith.addi %broadcast_in_dim3A_276, %select_n3A_288 : vector<16xi32>
        %add3A_290 = arith.constant 3 : i32
        %add3A_291 = vector.broadcast %add3A_290 : i32 to vector<16xi32>
        %add3A_292 = arith.addi %add3A_289, %add3A_291 : vector<16xi32>
        %broadcast_in_dim3A_293 = vector.shape_cast %add3A_292 : vector<16xi32> to vector<16x1xi32>
        %gather3A_294 = vector.shape_cast %broadcast_in_dim3A_293 : vector<16x1xi32> to vector<16xi32>
        %gather3A_295 = tpu.dynamic_gather %get3A_4[%gather3A_294] in [0] : vector<16xf32>, vector<16xi32> -> vector<16xf32>
        %ge3A_296 = arith.cmpf oge, %mul3A_273, %gather3A_295 : vector<16xf32>
        %jit3A_297 = arith.constant 4 : i32
        %jit3A_298 = arith.constant 0 : i32
        %broadcast_in_dim3A_299 = vector.broadcast %jit3A_297 : i32 to vector<16xi32>
        %broadcast_in_dim3A_300 = vector.broadcast %jit3A_298 : i32 to vector<16xi32>
        %select_n3A_301 = arith.select %ge3A_296, %broadcast_in_dim3A_299, %broadcast_in_dim3A_300 : vector<16xi1>, vector<16xi32>
        %add3A_302 = arith.addi %add3A_289, %select_n3A_301 : vector<16xi32>
        %add3A_303 = arith.constant 1 : i32
        %add3A_304 = vector.broadcast %add3A_303 : i32 to vector<16xi32>
        %add3A_305 = arith.addi %add3A_302, %add3A_304 : vector<16xi32>
        %broadcast_in_dim3A_306 = vector.shape_cast %add3A_305 : vector<16xi32> to vector<16x1xi32>
        %gather3A_307 = vector.shape_cast %broadcast_in_dim3A_306 : vector<16x1xi32> to vector<16xi32>
        %gather3A_308 = tpu.dynamic_gather %get3A_4[%gather3A_307] in [0] : vector<16xf32>, vector<16xi32> -> vector<16xf32>
        %ge3A_309 = arith.cmpf oge, %mul3A_273, %gather3A_308 : vector<16xf32>
        %jit3A_310 = arith.constant 2 : i32
        %jit3A_311 = arith.constant 0 : i32
        %broadcast_in_dim3A_312 = vector.broadcast %jit3A_310 : i32 to vector<16xi32>
        %broadcast_in_dim3A_313 = vector.broadcast %jit3A_311 : i32 to vector<16xi32>
        %select_n3A_314 = arith.select %ge3A_309, %broadcast_in_dim3A_312, %broadcast_in_dim3A_313 : vector<16xi1>, vector<16xi32>
        %add3A_315 = arith.addi %add3A_302, %select_n3A_314 : vector<16xi32>
        %add3A_316 = arith.constant 0 : i32
        %add3A_317 = vector.broadcast %add3A_316 : i32 to vector<16xi32>
        %add3A_318 = arith.addi %add3A_315, %add3A_317 : vector<16xi32>
        %broadcast_in_dim3A_319 = vector.shape_cast %add3A_318 : vector<16xi32> to vector<16x1xi32>
        %gather3A_320 = vector.shape_cast %broadcast_in_dim3A_319 : vector<16x1xi32> to vector<16xi32>
        %gather3A_321 = tpu.dynamic_gather %get3A_4[%gather3A_320] in [0] : vector<16xf32>, vector<16xi32> -> vector<16xf32>
        %ge3A_322 = arith.cmpf oge, %mul3A_273, %gather3A_321 : vector<16xf32>
        %jit3A_323 = arith.constant 1 : i32
        %jit3A_324 = arith.constant 0 : i32
        %broadcast_in_dim3A_325 = vector.broadcast %jit3A_323 : i32 to vector<16xi32>
        %broadcast_in_dim3A_326 = vector.broadcast %jit3A_324 : i32 to vector<16xi32>
        %select_n3A_327 = arith.select %ge3A_322, %broadcast_in_dim3A_325, %broadcast_in_dim3A_326 : vector<16xi1>, vector<16xi32>
        %add3A_328 = arith.addi %add3A_315, %select_n3A_327 : vector<16xi32>
        %broadcast_in_dim3A_329 = vector.shape_cast %add3A_328 : vector<16xi32> to vector<16x1xi32>
        %gather3A_330 = vector.shape_cast %broadcast_in_dim3A_329 : vector<16x1xi32> to vector<16xi32>
        %gather3A_331 = tpu.dynamic_gather %get3A_7[%gather3A_330] in [0] : vector<16xi32>, vector<16xi32> -> vector<16xi32>
        %and3A_332 = arith.constant 7 : i32
        %and3A_333 = vector.broadcast %and3A_332 : i32 to vector<16xi32>
        %and3A_334 = arith.andi %gather3A_331, %and3A_333 : vector<16xi32>
        %shift_left3A_335 = arith.constant 28 : i32
        %shift_left3A_336 = vector.broadcast %shift_left3A_335 : i32 to vector<16xi32>
        %shift_left3A_337 = arith.shli %gather3A_331, %shift_left3A_336 : vector<16xi32>
        %shift_right_arithmetic3A_338 = arith.constant 31 : i32
        %shift_right_arithmetic3A_339 = vector.broadcast %shift_right_arithmetic3A_338 : i32 to vector<16xi32>
        %shift_right_arithmetic3A_340 = arith.shrsi %shift_left3A_337, %shift_right_arithmetic3A_339 : vector<16xi32>
        %shift_right_arithmetic3A_341 = arith.constant 4 : i32
        %shift_right_arithmetic3A_342 = vector.broadcast %shift_right_arithmetic3A_341 : i32 to vector<16xi32>
        %shift_right_arithmetic3A_343 = arith.shrsi %gather3A_331, %shift_right_arithmetic3A_342 : vector<16xi32>
        %shift_right_arithmetic3A_344 = arith.shrsi %convert_element_type3A_274, %and3A_334 : vector<16xi32>
        %xor3A_345 = arith.xori %shift_right_arithmetic3A_344, %shift_right_arithmetic3A_340 : vector<16xi32>
        %sub3A_346 = arith.subi %xor3A_345, %shift_right_arithmetic3A_340 : vector<16xi32>
        %add3A_347 = arith.addi %shift_right_arithmetic3A_343, %sub3A_346 : vector<16xi32>
        %convert_element_type3A_348 = arith.sitofp %add3A_347 : vector<16xi32> to vector<16xf32>
        %mul3A_349 = arith.constant 1.52587891E-5 : f32
        %mul3A_350 = vector.broadcast %mul3A_349 : f32 to vector<16xf32>
        %mul3A_351 = arith.mulf %convert_element_type3A_348, %mul3A_350 : vector<16xf32>
        %swap3A_352 = arith.index_cast %mul3A_267 : i32 to index
        %swap3A_353 = tpu.vector_load %arg10[%swap3A_352] {strides = array<i32>} : memref<16384xf32, #tpu.memory_space<vmem>>, vector<16xf32>,
        %swap3A_354 = vector.shape_cast %swap3A_353 : vector<16xf32> to vector<16xf32>
        %swap3A_355 = vector.shape_cast %mul3A_351 : vector<16xf32> to vector<16xf32>
        tpu.vector_store %arg10[%swap3A_352], %swap3A_355 {strides = array<i32>} : memref<16384xf32, #tpu.memory_space<vmem>>, vector<16xf32>,
        %mul3A_356 = arith.constant 4 : i32
        %mul3A_357 = arith.muli %scan3A_85, %mul3A_356 : i32
        %add3A_358 = arith.constant 3 : i32
        %add3A_359 = arith.addi %mul3A_357, %add3A_358 : i32
        %mul3A_360 = arith.constant 16 : i32
        %mul3A_361 = arith.muli %add3A_359, %mul3A_360 : i32
        %get3A_362 = arith.index_cast %mul3A_361 : i32 to index
        %get3A_363 = tpu.vector_load %arg8[%get3A_362] {strides = array<i32>} : memref<16384xf32, #tpu.memory_space<vmem>>, vector<16xf32>,
        %get3A_364 = vector.shape_cast %get3A_363 : vector<16xf32> to vector<16xf32>
        %mul3A_365 = arith.constant 6.553600e+04 : f32
        %mul3A_366 = vector.broadcast %mul3A_365 : f32 to vector<16xf32>
        %mul3A_367 = arith.mulf %get3A_364, %mul3A_366 : vector<16xf32>
        %convert_element_type3A_368 = arith.fptosi %mul3A_367 : vector<16xf32> to vector<16xi32>
        %broadcast_in_dim3A_369 = arith.constant 0 : i32
        %broadcast_in_dim3A_370 = vector.broadcast %broadcast_in_dim3A_369 : i32 to vector<16xi32>
        %add3A_371 = arith.constant 7 : i32
        %add3A_372 = vector.broadcast %add3A_371 : i32 to vector<16xi32>
        %add3A_373 = arith.addi %broadcast_in_dim3A_370, %add3A_372 : vector<16xi32>
        %broadcast_in_dim3A_374 = vector.shape_cast %add3A_373 : vector<16xi32> to vector<16x1xi32>
        %gather3A_375 = vector.shape_cast %broadcast_in_dim3A_374 : vector<16x1xi32> to vector<16xi32>
        %gather3A_376 = tpu.dynamic_gather %get3A_4[%gather3A_375] in [0] : vector<16xf32>, vector<16xi32> -> vector<16xf32>
        %ge3A_377 = arith.cmpf oge, %mul3A_367, %gather3A_376 : vector<16xf32>
        %jit3A_378 = arith.constant 8 : i32
        %jit3A_379 = arith.constant 0 : i32
        %broadcast_in_dim3A_380 = vector.broadcast %jit3A_378 : i32 to vector<16xi32>
        %broadcast_in_dim3A_381 = vector.broadcast %jit3A_379 : i32 to vector<16xi32>
        %select_n3A_382 = arith.select %ge3A_377, %broadcast_in_dim3A_380, %broadcast_in_dim3A_381 : vector<16xi1>, vector<16xi32>
        %add3A_383 = arith.addi %broadcast_in_dim3A_370, %select_n3A_382 : vector<16xi32>
        %add3A_384 = arith.constant 3 : i32
        %add3A_385 = vector.broadcast %add3A_384 : i32 to vector<16xi32>
        %add3A_386 = arith.addi %add3A_383, %add3A_385 : vector<16xi32>
        %broadcast_in_dim3A_387 = vector.shape_cast %add3A_386 : vector<16xi32> to vector<16x1xi32>
        %gather3A_388 = vector.shape_cast %broadcast_in_dim3A_387 : vector<16x1xi32> to vector<16xi32>
        %gather3A_389 = tpu.dynamic_gather %get3A_4[%gather3A_388] in [0] : vector<16xf32>, vector<16xi32> -> vector<16xf32>
        %ge3A_390 = arith.cmpf oge, %mul3A_367, %gather3A_389 : vector<16xf32>
        %jit3A_391 = arith.constant 4 : i32
        %jit3A_392 = arith.constant 0 : i32
        %broadcast_in_dim3A_393 = vector.broadcast %jit3A_391 : i32 to vector<16xi32>
        %broadcast_in_dim3A_394 = vector.broadcast %jit3A_392 : i32 to vector<16xi32>
        %select_n3A_395 = arith.select %ge3A_390, %broadcast_in_dim3A_393, %broadcast_in_dim3A_394 : vector<16xi1>, vector<16xi32>
        %add3A_396 = arith.addi %add3A_383, %select_n3A_395 : vector<16xi32>
        %add3A_397 = arith.constant 1 : i32
        %add3A_398 = vector.broadcast %add3A_397 : i32 to vector<16xi32>
        %add3A_399 = arith.addi %add3A_396, %add3A_398 : vector<16xi32>
        %broadcast_in_dim3A_400 = vector.shape_cast %add3A_399 : vector<16xi32> to vector<16x1xi32>
        %gather3A_401 = vector.shape_cast %broadcast_in_dim3A_400 : vector<16x1xi32> to vector<16xi32>
        %gather3A_402 = tpu.dynamic_gather %get3A_4[%gather3A_401] in [0] : vector<16xf32>, vector<16xi32> -> vector<16xf32>
        %ge3A_403 = arith.cmpf oge, %mul3A_367, %gather3A_402 : vector<16xf32>
        %jit3A_404 = arith.constant 2 : i32
        %jit3A_405 = arith.constant 0 : i32
        %broadcast_in_dim3A_406 = vector.broadcast %jit3A_404 : i32 to vector<16xi32>
        %broadcast_in_dim3A_407 = vector.broadcast %jit3A_405 : i32 to vector<16xi32>
        %select_n3A_408 = arith.select %ge3A_403, %broadcast_in_dim3A_406, %broadcast_in_dim3A_407 : vector<16xi1>, vector<16xi32>
        %add3A_409 = arith.addi %add3A_396, %select_n3A_408 : vector<16xi32>
        %add3A_410 = arith.constant 0 : i32
        %add3A_411 = vector.broadcast %add3A_410 : i32 to vector<16xi32>
        %add3A_412 = arith.addi %add3A_409, %add3A_411 : vector<16xi32>
        %broadcast_in_dim3A_413 = vector.shape_cast %add3A_412 : vector<16xi32> to vector<16x1xi32>
        %gather3A_414 = vector.shape_cast %broadcast_in_dim3A_413 : vector<16x1xi32> to vector<16xi32>
        %gather3A_415 = tpu.dynamic_gather %get3A_4[%gather3A_414] in [0] : vector<16xf32>, vector<16xi32> -> vector<16xf32>
        %ge3A_416 = arith.cmpf oge, %mul3A_367, %gather3A_415 : vector<16xf32>
        %jit3A_417 = arith.constant 1 : i32
        %jit3A_418 = arith.constant 0 : i32
        %broadcast_in_dim3A_419 = vector.broadcast %jit3A_417 : i32 to vector<16xi32>
        %broadcast_in_dim3A_420 = vector.broadcast %jit3A_418 : i32 to vector<16xi32>
        %select_n3A_421 = arith.select %ge3A_416, %broadcast_in_dim3A_419, %broadcast_in_dim3A_420 : vector<16xi1>, vector<16xi32>
        %add3A_422 = arith.addi %add3A_409, %select_n3A_421 : vector<16xi32>
        %broadcast_in_dim3A_423 = vector.shape_cast %add3A_422 : vector<16xi32> to vector<16x1xi32>
        %gather3A_424 = vector.shape_cast %broadcast_in_dim3A_423 : vector<16x1xi32> to vector<16xi32>
        %gather3A_425 = tpu.dynamic_gather %get3A_7[%gather3A_424] in [0] : vector<16xi32>, vector<16xi32> -> vector<16xi32>
        %and3A_426 = arith.constant 7 : i32
        %and3A_427 = vector.broadcast %and3A_426 : i32 to vector<16xi32>
        %and3A_428 = arith.andi %gather3A_425, %and3A_427 : vector<16xi32>
        %shift_left3A_429 = arith.constant 28 : i32
        %shift_left3A_430 = vector.broadcast %shift_left3A_429 : i32 to vector<16xi32>
        %shift_left3A_431 = arith.shli %gather3A_425, %shift_left3A_430 : vector<16xi32>
        %shift_right_arithmetic3A_432 = arith.constant 31 : i32
        %shift_right_arithmetic3A_433 = vector.broadcast %shift_right_arithmetic3A_432 : i32 to vector<16xi32>
        %shift_right_arithmetic3A_434 = arith.shrsi %shift_left3A_431, %shift_right_arithmetic3A_433 : vector<16xi32>
        %shift_right_arithmetic3A_435 = arith.constant 4 : i32
        %shift_right_arithmetic3A_436 = vector.broadcast %shift_right_arithmetic3A_435 : i32 to vector<16xi32>
        %shift_right_arithmetic3A_437 = arith.shrsi %gather3A_425, %shift_right_arithmetic3A_436 : vector<16xi32>
        %shift_right_arithmetic3A_438 = arith.shrsi %convert_element_type3A_368, %and3A_428 : vector<16xi32>
        %xor3A_439 = arith.xori %shift_right_arithmetic3A_438, %shift_right_arithmetic3A_434 : vector<16xi32>
        %sub3A_440 = arith.subi %xor3A_439, %shift_right_arithmetic3A_434 : vector<16xi32>
        %add3A_441 = arith.addi %shift_right_arithmetic3A_437, %sub3A_440 : vector<16xi32>
        %convert_element_type3A_442 = arith.sitofp %add3A_441 : vector<16xi32> to vector<16xf32>
        %mul3A_443 = arith.constant 1.52587891E-5 : f32
        %mul3A_444 = vector.broadcast %mul3A_443 : f32 to vector<16xf32>
        %mul3A_445 = arith.mulf %convert_element_type3A_442, %mul3A_444 : vector<16xf32>
        %swap3A_446 = arith.index_cast %mul3A_361 : i32 to index
        %swap3A_447 = tpu.vector_load %arg10[%swap3A_446] {strides = array<i32>} : memref<16384xf32, #tpu.memory_space<vmem>>, vector<16xf32>,
        %swap3A_448 = vector.shape_cast %swap3A_447 : vector<16xf32> to vector<16xf32>
        %swap3A_449 = vector.shape_cast %mul3A_445 : vector<16xf32> to vector<16xf32>
        tpu.vector_store %arg10[%swap3A_446], %swap3A_449 {strides = array<i32>} : memref<16384xf32, #tpu.memory_space<vmem>>, vector<16xf32>,
      }
      %scan3A_39 = arith.constant 256 : i32
      %mul3A_40 = arith.constant 16384 : i32
      %mul3A_41 = arith.muli %mul3A_21, %mul3A_40 : i32
      %add3A_42 = arith.addi %mul3A_2, %mul3A_41 : i32
      %dma_start3A_43 = tpu.memref_slice %arg5[%add3A_42] : memref<16777216xf32, #tpu.memory_space<hbm>> -> memref<16384xf32, #tpu.memory_space<hbm>>
      %dma_start3A_44 = tpu.memref_slice %arg5[%add3A_42] : memref<16777216xf32, #tpu.memory_space<hbm>> -> memref<16384xf32, #tpu.memory_space<hbm>>
      tpu.enqueue_dma source(%arg10 : memref<16384xf32, #tpu.memory_space<vmem>>) target(%dma_start3A_44 : memref<16384xf32, #tpu.memory_space<hbm>>) target_semaphore(%arg14 : memref<!tpu.dma_semaphore, #tpu.memory_space<semaphore_mem>>)
      %add3A_45 = arith.constant 1 : i32
      %add3A_46 = arith.addi %mul3A_21, %add3A_45 : i32
      %mul3A_47 = arith.constant 16384 : i32
      %mul3A_48 = arith.muli %add3A_46, %mul3A_47 : i32
      %add3A_49 = arith.addi %mul3A_2, %mul3A_48 : i32
      %dma_wait3A_50 = tpu.memref_slice %arg4[%add3A_49] : memref<16777216xf32, #tpu.memory_space<hbm>> -> memref<16384xf32, #tpu.memory_space<hbm>>
      %dma_wait3A_51 = tpu.memref_slice %arg4[%add3A_49] : memref<16777216xf32, #tpu.memory_space<hbm>> -> memref<16384xf32, #tpu.memory_space<hbm>>
      tpu.wait_dma2 semaphore(%arg13 : memref<!tpu.dma_semaphore, #tpu.memory_space<semaphore_mem>>) src(%dma_wait3A_51 : memref<16384xf32, #tpu.memory_space<hbm>>) dst(%arg9 : memref<16384xf32, #tpu.memory_space<vmem>>)
      %add3A_52 = arith.constant 2 : i32
      %add3A_53 = arith.addi %mul3A_21, %add3A_52 : i32
      %min3A = arith.constant 31 : i32
      %min3A_54 = arith.minsi %add3A_53, %min3A : i32
      %mul3A_55 = arith.constant 16384 : i32
      %mul3A_56 = arith.muli %min3A_54, %mul3A_55 : i32
      %add3A_57 = arith.addi %mul3A_2, %mul3A_56 : i32
      %dma_start3A_58 = tpu.memref_slice %arg4[%add3A_57] : memref<16777216xf32, #tpu.memory_space<hbm>> -> memref<16384xf32, #tpu.memory_space<hbm>>
      %dma_start3A_59 = tpu.memref_slice %arg4[%add3A_57] : memref<16777216xf32, #tpu.memory_space<hbm>> -> memref<16384xf32, #tpu.memory_space<hbm>>
      tpu.enqueue_dma source(%dma_start3A_59 : memref<16384xf32, #tpu.memory_space<hbm>>) target(%arg8 : memref<16384xf32, #tpu.memory_space<vmem>>) target_semaphore(%arg12 : memref<!tpu.dma_semaphore, #tpu.memory_space<semaphore_mem>>)
      %scan3A_60 = arith.constant 0 : i32
      %scan3A_61 = arith.constant 0 : i32
      %scan3A_62 = arith.constant 256 : i32
      %scan3A_63 = arith.addi %scan3A_61, %scan3A_62 : i32
      %scan3A_64 = arith.constant 1 : i32
      scf.for %scan3A_85 = %scan3A_61 to %scan3A_63 step %scan3A_64  : i32 {
        %mul3A_86 = arith.constant 4 : i32
        %mul3A_87 = arith.muli %scan3A_85, %mul3A_86 : i32
        %add3A_88 = arith.constant 0 : i32
        %add3A_89 = arith.addi %mul3A_87, %add3A_88 : i32
        %mul3A_90 = arith.constant 16 : i32
        %mul3A_91 = arith.muli %add3A_89, %mul3A_90 : i32
        %get3A_92 = arith.index_cast %mul3A_91 : i32 to index
        %get3A_93 = tpu.vector_load %arg9[%get3A_92] {strides = array<i32>} : memref<16384xf32, #tpu.memory_space<vmem>>, vector<16xf32>,
        %get3A_94 = vector.shape_cast %get3A_93 : vector<16xf32> to vector<16xf32>
        %mul3A_95 = arith.constant 6.553600e+04 : f32
        %mul3A_96 = vector.broadcast %mul3A_95 : f32 to vector<16xf32>
        %mul3A_97 = arith.mulf %get3A_94, %mul3A_96 : vector<16xf32>
        %convert_element_type3A = arith.fptosi %mul3A_97 : vector<16xf32> to vector<16xi32>
        %broadcast_in_dim3A = arith.constant 0 : i32
        %broadcast_in_dim3A_98 = vector.broadcast %broadcast_in_dim3A : i32 to vector<16xi32>
        %add3A_99 = arith.constant 7 : i32
        %add3A_100 = vector.broadcast %add3A_99 : i32 to vector<16xi32>
        %add3A_101 = arith.addi %broadcast_in_dim3A_98, %add3A_100 : vector<16xi32>
        %broadcast_in_dim3A_102 = vector.shape_cast %add3A_101 : vector<16xi32> to vector<16x1xi32>
        %gather3A = vector.shape_cast %broadcast_in_dim3A_102 : vector<16x1xi32> to vector<16xi32>
        %gather3A_103 = tpu.dynamic_gather %get3A_4[%gather3A] in [0] : vector<16xf32>, vector<16xi32> -> vector<16xf32>
        %ge3A = arith.cmpf oge, %mul3A_97, %gather3A_103 : vector<16xf32>
        %jit3A = arith.constant 8 : i32
        %jit3A_104 = arith.constant 0 : i32
        %broadcast_in_dim3A_105 = vector.broadcast %jit3A : i32 to vector<16xi32>
        %broadcast_in_dim3A_106 = vector.broadcast %jit3A_104 : i32 to vector<16xi32>
        %select_n3A = arith.select %ge3A, %broadcast_in_dim3A_105, %broadcast_in_dim3A_106 : vector<16xi1>, vector<16xi32>
        %add3A_107 = arith.addi %broadcast_in_dim3A_98, %select_n3A : vector<16xi32>
        %add3A_108 = arith.constant 3 : i32
        %add3A_109 = vector.broadcast %add3A_108 : i32 to vector<16xi32>
        %add3A_110 = arith.addi %add3A_107, %add3A_109 : vector<16xi32>
        %broadcast_in_dim3A_111 = vector.shape_cast %add3A_110 : vector<16xi32> to vector<16x1xi32>
        %gather3A_112 = vector.shape_cast %broadcast_in_dim3A_111 : vector<16x1xi32> to vector<16xi32>
        %gather3A_113 = tpu.dynamic_gather %get3A_4[%gather3A_112] in [0] : vector<16xf32>, vector<16xi32> -> vector<16xf32>
        %ge3A_114 = arith.cmpf oge, %mul3A_97, %gather3A_113 : vector<16xf32>
        %jit3A_115 = arith.constant 4 : i32
        %jit3A_116 = arith.constant 0 : i32
        %broadcast_in_dim3A_117 = vector.broadcast %jit3A_115 : i32 to vector<16xi32>
        %broadcast_in_dim3A_118 = vector.broadcast %jit3A_116 : i32 to vector<16xi32>
        %select_n3A_119 = arith.select %ge3A_114, %broadcast_in_dim3A_117, %broadcast_in_dim3A_118 : vector<16xi1>, vector<16xi32>
        %add3A_120 = arith.addi %add3A_107, %select_n3A_119 : vector<16xi32>
        %add3A_121 = arith.constant 1 : i32
        %add3A_122 = vector.broadcast %add3A_121 : i32 to vector<16xi32>
        %add3A_123 = arith.addi %add3A_120, %add3A_122 : vector<16xi32>
        %broadcast_in_dim3A_124 = vector.shape_cast %add3A_123 : vector<16xi32> to vector<16x1xi32>
        %gather3A_125 = vector.shape_cast %broadcast_in_dim3A_124 : vector<16x1xi32> to vector<16xi32>
        %gather3A_126 = tpu.dynamic_gather %get3A_4[%gather3A_125] in [0] : vector<16xf32>, vector<16xi32> -> vector<16xf32>
        %ge3A_127 = arith.cmpf oge, %mul3A_97, %gather3A_126 : vector<16xf32>
        %jit3A_128 = arith.constant 2 : i32
        %jit3A_129 = arith.constant 0 : i32
        %broadcast_in_dim3A_130 = vector.broadcast %jit3A_128 : i32 to vector<16xi32>
        %broadcast_in_dim3A_131 = vector.broadcast %jit3A_129 : i32 to vector<16xi32>
        %select_n3A_132 = arith.select %ge3A_127, %broadcast_in_dim3A_130, %broadcast_in_dim3A_131 : vector<16xi1>, vector<16xi32>
        %add3A_133 = arith.addi %add3A_120, %select_n3A_132 : vector<16xi32>
        %add3A_134 = arith.constant 0 : i32
        %add3A_135 = vector.broadcast %add3A_134 : i32 to vector<16xi32>
        %add3A_136 = arith.addi %add3A_133, %add3A_135 : vector<16xi32>
        %broadcast_in_dim3A_137 = vector.shape_cast %add3A_136 : vector<16xi32> to vector<16x1xi32>
        %gather3A_138 = vector.shape_cast %broadcast_in_dim3A_137 : vector<16x1xi32> to vector<16xi32>
        %gather3A_139 = tpu.dynamic_gather %get3A_4[%gather3A_138] in [0] : vector<16xf32>, vector<16xi32> -> vector<16xf32>
        %ge3A_140 = arith.cmpf oge, %mul3A_97, %gather3A_139 : vector<16xf32>
        %jit3A_141 = arith.constant 1 : i32
        %jit3A_142 = arith.constant 0 : i32
        %broadcast_in_dim3A_143 = vector.broadcast %jit3A_141 : i32 to vector<16xi32>
        %broadcast_in_dim3A_144 = vector.broadcast %jit3A_142 : i32 to vector<16xi32>
        %select_n3A_145 = arith.select %ge3A_140, %broadcast_in_dim3A_143, %broadcast_in_dim3A_144 : vector<16xi1>, vector<16xi32>
        %add3A_146 = arith.addi %add3A_133, %select_n3A_145 : vector<16xi32>
        %broadcast_in_dim3A_147 = vector.shape_cast %add3A_146 : vector<16xi32> to vector<16x1xi32>
        %gather3A_148 = vector.shape_cast %broadcast_in_dim3A_147 : vector<16x1xi32> to vector<16xi32>
        %gather3A_149 = tpu.dynamic_gather %get3A_7[%gather3A_148] in [0] : vector<16xi32>, vector<16xi32> -> vector<16xi32>
        %and3A = arith.constant 7 : i32
        %and3A_150 = vector.broadcast %and3A : i32 to vector<16xi32>
        %and3A_151 = arith.andi %gather3A_149, %and3A_150 : vector<16xi32>
        %shift_left3A = arith.constant 28 : i32
        %shift_left3A_152 = vector.broadcast %shift_left3A : i32 to vector<16xi32>
        %shift_left3A_153 = arith.shli %gather3A_149, %shift_left3A_152 : vector<16xi32>
        %shift_right_arithmetic3A = arith.constant 31 : i32
        %shift_right_arithmetic3A_154 = vector.broadcast %shift_right_arithmetic3A : i32 to vector<16xi32>
        %shift_right_arithmetic3A_155 = arith.shrsi %shift_left3A_153, %shift_right_arithmetic3A_154 : vector<16xi32>
        %shift_right_arithmetic3A_156 = arith.constant 4 : i32
        %shift_right_arithmetic3A_157 = vector.broadcast %shift_right_arithmetic3A_156 : i32 to vector<16xi32>
        %shift_right_arithmetic3A_158 = arith.shrsi %gather3A_149, %shift_right_arithmetic3A_157 : vector<16xi32>
        %shift_right_arithmetic3A_159 = arith.shrsi %convert_element_type3A, %and3A_151 : vector<16xi32>
        %xor3A = arith.xori %shift_right_arithmetic3A_159, %shift_right_arithmetic3A_155 : vector<16xi32>
        %sub3A = arith.subi %xor3A, %shift_right_arithmetic3A_155 : vector<16xi32>
        %add3A_160 = arith.addi %shift_right_arithmetic3A_158, %sub3A : vector<16xi32>
        %convert_element_type3A_161 = arith.sitofp %add3A_160 : vector<16xi32> to vector<16xf32>
        %mul3A_162 = arith.constant 1.52587891E-5 : f32
        %mul3A_163 = vector.broadcast %mul3A_162 : f32 to vector<16xf32>
        %mul3A_164 = arith.mulf %convert_element_type3A_161, %mul3A_163 : vector<16xf32>
        %swap3A = arith.index_cast %mul3A_91 : i32 to index
        %swap3A_165 = tpu.vector_load %arg11[%swap3A] {strides = array<i32>} : memref<16384xf32, #tpu.memory_space<vmem>>, vector<16xf32>,
        %swap3A_166 = vector.shape_cast %swap3A_165 : vector<16xf32> to vector<16xf32>
        %swap3A_167 = vector.shape_cast %mul3A_164 : vector<16xf32> to vector<16xf32>
        tpu.vector_store %arg11[%swap3A], %swap3A_167 {strides = array<i32>} : memref<16384xf32, #tpu.memory_space<vmem>>, vector<16xf32>,
        %mul3A_168 = arith.constant 4 : i32
        %mul3A_169 = arith.muli %scan3A_85, %mul3A_168 : i32
        %add3A_170 = arith.constant 1 : i32
        %add3A_171 = arith.addi %mul3A_169, %add3A_170 : i32
        %mul3A_172 = arith.constant 16 : i32
        %mul3A_173 = arith.muli %add3A_171, %mul3A_172 : i32
        %get3A_174 = arith.index_cast %mul3A_173 : i32 to index
        %get3A_175 = tpu.vector_load %arg9[%get3A_174] {strides = array<i32>} : memref<16384xf32, #tpu.memory_space<vmem>>, vector<16xf32>,
        %get3A_176 = vector.shape_cast %get3A_175 : vector<16xf32> to vector<16xf32>
        %mul3A_177 = arith.constant 6.553600e+04 : f32
        %mul3A_178 = vector.broadcast %mul3A_177 : f32 to vector<16xf32>
        %mul3A_179 = arith.mulf %get3A_176, %mul3A_178 : vector<16xf32>
        %convert_element_type3A_180 = arith.fptosi %mul3A_179 : vector<16xf32> to vector<16xi32>
        %broadcast_in_dim3A_181 = arith.constant 0 : i32
        %broadcast_in_dim3A_182 = vector.broadcast %broadcast_in_dim3A_181 : i32 to vector<16xi32>
        %add3A_183 = arith.constant 7 : i32
        %add3A_184 = vector.broadcast %add3A_183 : i32 to vector<16xi32>
        %add3A_185 = arith.addi %broadcast_in_dim3A_182, %add3A_184 : vector<16xi32>
        %broadcast_in_dim3A_186 = vector.shape_cast %add3A_185 : vector<16xi32> to vector<16x1xi32>
        %gather3A_187 = vector.shape_cast %broadcast_in_dim3A_186 : vector<16x1xi32> to vector<16xi32>
        %gather3A_188 = tpu.dynamic_gather %get3A_4[%gather3A_187] in [0] : vector<16xf32>, vector<16xi32> -> vector<16xf32>
        %ge3A_189 = arith.cmpf oge, %mul3A_179, %gather3A_188 : vector<16xf32>
        %jit3A_190 = arith.constant 8 : i32
        %jit3A_191 = arith.constant 0 : i32
        %broadcast_in_dim3A_192 = vector.broadcast %jit3A_190 : i32 to vector<16xi32>
        %broadcast_in_dim3A_193 = vector.broadcast %jit3A_191 : i32 to vector<16xi32>
        %select_n3A_194 = arith.select %ge3A_189, %broadcast_in_dim3A_192, %broadcast_in_dim3A_193 : vector<16xi1>, vector<16xi32>
        %add3A_195 = arith.addi %broadcast_in_dim3A_182, %select_n3A_194 : vector<16xi32>
        %add3A_196 = arith.constant 3 : i32
        %add3A_197 = vector.broadcast %add3A_196 : i32 to vector<16xi32>
        %add3A_198 = arith.addi %add3A_195, %add3A_197 : vector<16xi32>
        %broadcast_in_dim3A_199 = vector.shape_cast %add3A_198 : vector<16xi32> to vector<16x1xi32>
        %gather3A_200 = vector.shape_cast %broadcast_in_dim3A_199 : vector<16x1xi32> to vector<16xi32>
        %gather3A_201 = tpu.dynamic_gather %get3A_4[%gather3A_200] in [0] : vector<16xf32>, vector<16xi32> -> vector<16xf32>
        %ge3A_202 = arith.cmpf oge, %mul3A_179, %gather3A_201 : vector<16xf32>
        %jit3A_203 = arith.constant 4 : i32
        %jit3A_204 = arith.constant 0 : i32
        %broadcast_in_dim3A_205 = vector.broadcast %jit3A_203 : i32 to vector<16xi32>
        %broadcast_in_dim3A_206 = vector.broadcast %jit3A_204 : i32 to vector<16xi32>
        %select_n3A_207 = arith.select %ge3A_202, %broadcast_in_dim3A_205, %broadcast_in_dim3A_206 : vector<16xi1>, vector<16xi32>
        %add3A_208 = arith.addi %add3A_195, %select_n3A_207 : vector<16xi32>
        %add3A_209 = arith.constant 1 : i32
        %add3A_210 = vector.broadcast %add3A_209 : i32 to vector<16xi32>
        %add3A_211 = arith.addi %add3A_208, %add3A_210 : vector<16xi32>
        %broadcast_in_dim3A_212 = vector.shape_cast %add3A_211 : vector<16xi32> to vector<16x1xi32>
        %gather3A_213 = vector.shape_cast %broadcast_in_dim3A_212 : vector<16x1xi32> to vector<16xi32>
        %gather3A_214 = tpu.dynamic_gather %get3A_4[%gather3A_213] in [0] : vector<16xf32>, vector<16xi32> -> vector<16xf32>
        %ge3A_215 = arith.cmpf oge, %mul3A_179, %gather3A_214 : vector<16xf32>
        %jit3A_216 = arith.constant 2 : i32
        %jit3A_217 = arith.constant 0 : i32
        %broadcast_in_dim3A_218 = vector.broadcast %jit3A_216 : i32 to vector<16xi32>
        %broadcast_in_dim3A_219 = vector.broadcast %jit3A_217 : i32 to vector<16xi32>
        %select_n3A_220 = arith.select %ge3A_215, %broadcast_in_dim3A_218, %broadcast_in_dim3A_219 : vector<16xi1>, vector<16xi32>
        %add3A_221 = arith.addi %add3A_208, %select_n3A_220 : vector<16xi32>
        %add3A_222 = arith.constant 0 : i32
        %add3A_223 = vector.broadcast %add3A_222 : i32 to vector<16xi32>
        %add3A_224 = arith.addi %add3A_221, %add3A_223 : vector<16xi32>
        %broadcast_in_dim3A_225 = vector.shape_cast %add3A_224 : vector<16xi32> to vector<16x1xi32>
        %gather3A_226 = vector.shape_cast %broadcast_in_dim3A_225 : vector<16x1xi32> to vector<16xi32>
        %gather3A_227 = tpu.dynamic_gather %get3A_4[%gather3A_226] in [0] : vector<16xf32>, vector<16xi32> -> vector<16xf32>
        %ge3A_228 = arith.cmpf oge, %mul3A_179, %gather3A_227 : vector<16xf32>
        %jit3A_229 = arith.constant 1 : i32
        %jit3A_230 = arith.constant 0 : i32
        %broadcast_in_dim3A_231 = vector.broadcast %jit3A_229 : i32 to vector<16xi32>
        %broadcast_in_dim3A_232 = vector.broadcast %jit3A_230 : i32 to vector<16xi32>
        %select_n3A_233 = arith.select %ge3A_228, %broadcast_in_dim3A_231, %broadcast_in_dim3A_232 : vector<16xi1>, vector<16xi32>
        %add3A_234 = arith.addi %add3A_221, %select_n3A_233 : vector<16xi32>
        %broadcast_in_dim3A_235 = vector.shape_cast %add3A_234 : vector<16xi32> to vector<16x1xi32>
        %gather3A_236 = vector.shape_cast %broadcast_in_dim3A_235 : vector<16x1xi32> to vector<16xi32>
        %gather3A_237 = tpu.dynamic_gather %get3A_7[%gather3A_236] in [0] : vector<16xi32>, vector<16xi32> -> vector<16xi32>
        %and3A_238 = arith.constant 7 : i32
        %and3A_239 = vector.broadcast %and3A_238 : i32 to vector<16xi32>
        %and3A_240 = arith.andi %gather3A_237, %and3A_239 : vector<16xi32>
        %shift_left3A_241 = arith.constant 28 : i32
        %shift_left3A_242 = vector.broadcast %shift_left3A_241 : i32 to vector<16xi32>
        %shift_left3A_243 = arith.shli %gather3A_237, %shift_left3A_242 : vector<16xi32>
        %shift_right_arithmetic3A_244 = arith.constant 31 : i32
        %shift_right_arithmetic3A_245 = vector.broadcast %shift_right_arithmetic3A_244 : i32 to vector<16xi32>
        %shift_right_arithmetic3A_246 = arith.shrsi %shift_left3A_243, %shift_right_arithmetic3A_245 : vector<16xi32>
        %shift_right_arithmetic3A_247 = arith.constant 4 : i32
        %shift_right_arithmetic3A_248 = vector.broadcast %shift_right_arithmetic3A_247 : i32 to vector<16xi32>
        %shift_right_arithmetic3A_249 = arith.shrsi %gather3A_237, %shift_right_arithmetic3A_248 : vector<16xi32>
        %shift_right_arithmetic3A_250 = arith.shrsi %convert_element_type3A_180, %and3A_240 : vector<16xi32>
        %xor3A_251 = arith.xori %shift_right_arithmetic3A_250, %shift_right_arithmetic3A_246 : vector<16xi32>
        %sub3A_252 = arith.subi %xor3A_251, %shift_right_arithmetic3A_246 : vector<16xi32>
        %add3A_253 = arith.addi %shift_right_arithmetic3A_249, %sub3A_252 : vector<16xi32>
        %convert_element_type3A_254 = arith.sitofp %add3A_253 : vector<16xi32> to vector<16xf32>
        %mul3A_255 = arith.constant 1.52587891E-5 : f32
        %mul3A_256 = vector.broadcast %mul3A_255 : f32 to vector<16xf32>
        %mul3A_257 = arith.mulf %convert_element_type3A_254, %mul3A_256 : vector<16xf32>
        %swap3A_258 = arith.index_cast %mul3A_173 : i32 to index
        %swap3A_259 = tpu.vector_load %arg11[%swap3A_258] {strides = array<i32>} : memref<16384xf32, #tpu.memory_space<vmem>>, vector<16xf32>,
        %swap3A_260 = vector.shape_cast %swap3A_259 : vector<16xf32> to vector<16xf32>
        %swap3A_261 = vector.shape_cast %mul3A_257 : vector<16xf32> to vector<16xf32>
        tpu.vector_store %arg11[%swap3A_258], %swap3A_261 {strides = array<i32>} : memref<16384xf32, #tpu.memory_space<vmem>>, vector<16xf32>,
        %mul3A_262 = arith.constant 4 : i32
        %mul3A_263 = arith.muli %scan3A_85, %mul3A_262 : i32
        %add3A_264 = arith.constant 2 : i32
        %add3A_265 = arith.addi %mul3A_263, %add3A_264 : i32
        %mul3A_266 = arith.constant 16 : i32
        %mul3A_267 = arith.muli %add3A_265, %mul3A_266 : i32
        %get3A_268 = arith.index_cast %mul3A_267 : i32 to index
        %get3A_269 = tpu.vector_load %arg9[%get3A_268] {strides = array<i32>} : memref<16384xf32, #tpu.memory_space<vmem>>, vector<16xf32>,
        %get3A_270 = vector.shape_cast %get3A_269 : vector<16xf32> to vector<16xf32>
        %mul3A_271 = arith.constant 6.553600e+04 : f32
        %mul3A_272 = vector.broadcast %mul3A_271 : f32 to vector<16xf32>
        %mul3A_273 = arith.mulf %get3A_270, %mul3A_272 : vector<16xf32>
        %convert_element_type3A_274 = arith.fptosi %mul3A_273 : vector<16xf32> to vector<16xi32>
        %broadcast_in_dim3A_275 = arith.constant 0 : i32
        %broadcast_in_dim3A_276 = vector.broadcast %broadcast_in_dim3A_275 : i32 to vector<16xi32>
        %add3A_277 = arith.constant 7 : i32
        %add3A_278 = vector.broadcast %add3A_277 : i32 to vector<16xi32>
        %add3A_279 = arith.addi %broadcast_in_dim3A_276, %add3A_278 : vector<16xi32>
        %broadcast_in_dim3A_280 = vector.shape_cast %add3A_279 : vector<16xi32> to vector<16x1xi32>
        %gather3A_281 = vector.shape_cast %broadcast_in_dim3A_280 : vector<16x1xi32> to vector<16xi32>
        %gather3A_282 = tpu.dynamic_gather %get3A_4[%gather3A_281] in [0] : vector<16xf32>, vector<16xi32> -> vector<16xf32>
        %ge3A_283 = arith.cmpf oge, %mul3A_273, %gather3A_282 : vector<16xf32>
        %jit3A_284 = arith.constant 8 : i32
        %jit3A_285 = arith.constant 0 : i32
        %broadcast_in_dim3A_286 = vector.broadcast %jit3A_284 : i32 to vector<16xi32>
        %broadcast_in_dim3A_287 = vector.broadcast %jit3A_285 : i32 to vector<16xi32>
        %select_n3A_288 = arith.select %ge3A_283, %broadcast_in_dim3A_286, %broadcast_in_dim3A_287 : vector<16xi1>, vector<16xi32>
        %add3A_289 = arith.addi %broadcast_in_dim3A_276, %select_n3A_288 : vector<16xi32>
        %add3A_290 = arith.constant 3 : i32
        %add3A_291 = vector.broadcast %add3A_290 : i32 to vector<16xi32>
        %add3A_292 = arith.addi %add3A_289, %add3A_291 : vector<16xi32>
        %broadcast_in_dim3A_293 = vector.shape_cast %add3A_292 : vector<16xi32> to vector<16x1xi32>
        %gather3A_294 = vector.shape_cast %broadcast_in_dim3A_293 : vector<16x1xi32> to vector<16xi32>
        %gather3A_295 = tpu.dynamic_gather %get3A_4[%gather3A_294] in [0] : vector<16xf32>, vector<16xi32> -> vector<16xf32>
        %ge3A_296 = arith.cmpf oge, %mul3A_273, %gather3A_295 : vector<16xf32>
        %jit3A_297 = arith.constant 4 : i32
        %jit3A_298 = arith.constant 0 : i32
        %broadcast_in_dim3A_299 = vector.broadcast %jit3A_297 : i32 to vector<16xi32>
        %broadcast_in_dim3A_300 = vector.broadcast %jit3A_298 : i32 to vector<16xi32>
        %select_n3A_301 = arith.select %ge3A_296, %broadcast_in_dim3A_299, %broadcast_in_dim3A_300 : vector<16xi1>, vector<16xi32>
        %add3A_302 = arith.addi %add3A_289, %select_n3A_301 : vector<16xi32>
        %add3A_303 = arith.constant 1 : i32
        %add3A_304 = vector.broadcast %add3A_303 : i32 to vector<16xi32>
        %add3A_305 = arith.addi %add3A_302, %add3A_304 : vector<16xi32>
        %broadcast_in_dim3A_306 = vector.shape_cast %add3A_305 : vector<16xi32> to vector<16x1xi32>
        %gather3A_307 = vector.shape_cast %broadcast_in_dim3A_306 : vector<16x1xi32> to vector<16xi32>
        %gather3A_308 = tpu.dynamic_gather %get3A_4[%gather3A_307] in [0] : vector<16xf32>, vector<16xi32> -> vector<16xf32>
        %ge3A_309 = arith.cmpf oge, %mul3A_273, %gather3A_308 : vector<16xf32>
        %jit3A_310 = arith.constant 2 : i32
        %jit3A_311 = arith.constant 0 : i32
        %broadcast_in_dim3A_312 = vector.broadcast %jit3A_310 : i32 to vector<16xi32>
        %broadcast_in_dim3A_313 = vector.broadcast %jit3A_311 : i32 to vector<16xi32>
        %select_n3A_314 = arith.select %ge3A_309, %broadcast_in_dim3A_312, %broadcast_in_dim3A_313 : vector<16xi1>, vector<16xi32>
        %add3A_315 = arith.addi %add3A_302, %select_n3A_314 : vector<16xi32>
        %add3A_316 = arith.constant 0 : i32
        %add3A_317 = vector.broadcast %add3A_316 : i32 to vector<16xi32>
        %add3A_318 = arith.addi %add3A_315, %add3A_317 : vector<16xi32>
        %broadcast_in_dim3A_319 = vector.shape_cast %add3A_318 : vector<16xi32> to vector<16x1xi32>
        %gather3A_320 = vector.shape_cast %broadcast_in_dim3A_319 : vector<16x1xi32> to vector<16xi32>
        %gather3A_321 = tpu.dynamic_gather %get3A_4[%gather3A_320] in [0] : vector<16xf32>, vector<16xi32> -> vector<16xf32>
        %ge3A_322 = arith.cmpf oge, %mul3A_273, %gather3A_321 : vector<16xf32>
        %jit3A_323 = arith.constant 1 : i32
        %jit3A_324 = arith.constant 0 : i32
        %broadcast_in_dim3A_325 = vector.broadcast %jit3A_323 : i32 to vector<16xi32>
        %broadcast_in_dim3A_326 = vector.broadcast %jit3A_324 : i32 to vector<16xi32>
        %select_n3A_327 = arith.select %ge3A_322, %broadcast_in_dim3A_325, %broadcast_in_dim3A_326 : vector<16xi1>, vector<16xi32>
        %add3A_328 = arith.addi %add3A_315, %select_n3A_327 : vector<16xi32>
        %broadcast_in_dim3A_329 = vector.shape_cast %add3A_328 : vector<16xi32> to vector<16x1xi32>
        %gather3A_330 = vector.shape_cast %broadcast_in_dim3A_329 : vector<16x1xi32> to vector<16xi32>
        %gather3A_331 = tpu.dynamic_gather %get3A_7[%gather3A_330] in [0] : vector<16xi32>, vector<16xi32> -> vector<16xi32>
        %and3A_332 = arith.constant 7 : i32
        %and3A_333 = vector.broadcast %and3A_332 : i32 to vector<16xi32>
        %and3A_334 = arith.andi %gather3A_331, %and3A_333 : vector<16xi32>
        %shift_left3A_335 = arith.constant 28 : i32
        %shift_left3A_336 = vector.broadcast %shift_left3A_335 : i32 to vector<16xi32>
        %shift_left3A_337 = arith.shli %gather3A_331, %shift_left3A_336 : vector<16xi32>
        %shift_right_arithmetic3A_338 = arith.constant 31 : i32
        %shift_right_arithmetic3A_339 = vector.broadcast %shift_right_arithmetic3A_338 : i32 to vector<16xi32>
        %shift_right_arithmetic3A_340 = arith.shrsi %shift_left3A_337, %shift_right_arithmetic3A_339 : vector<16xi32>
        %shift_right_arithmetic3A_341 = arith.constant 4 : i32
        %shift_right_arithmetic3A_342 = vector.broadcast %shift_right_arithmetic3A_341 : i32 to vector<16xi32>
        %shift_right_arithmetic3A_343 = arith.shrsi %gather3A_331, %shift_right_arithmetic3A_342 : vector<16xi32>
        %shift_right_arithmetic3A_344 = arith.shrsi %convert_element_type3A_274, %and3A_334 : vector<16xi32>
        %xor3A_345 = arith.xori %shift_right_arithmetic3A_344, %shift_right_arithmetic3A_340 : vector<16xi32>
        %sub3A_346 = arith.subi %xor3A_345, %shift_right_arithmetic3A_340 : vector<16xi32>
        %add3A_347 = arith.addi %shift_right_arithmetic3A_343, %sub3A_346 : vector<16xi32>
        %convert_element_type3A_348 = arith.sitofp %add3A_347 : vector<16xi32> to vector<16xf32>
        %mul3A_349 = arith.constant 1.52587891E-5 : f32
        %mul3A_350 = vector.broadcast %mul3A_349 : f32 to vector<16xf32>
        %mul3A_351 = arith.mulf %convert_element_type3A_348, %mul3A_350 : vector<16xf32>
        %swap3A_352 = arith.index_cast %mul3A_267 : i32 to index
        %swap3A_353 = tpu.vector_load %arg11[%swap3A_352] {strides = array<i32>} : memref<16384xf32, #tpu.memory_space<vmem>>, vector<16xf32>,
        %swap3A_354 = vector.shape_cast %swap3A_353 : vector<16xf32> to vector<16xf32>
        %swap3A_355 = vector.shape_cast %mul3A_351 : vector<16xf32> to vector<16xf32>
        tpu.vector_store %arg11[%swap3A_352], %swap3A_355 {strides = array<i32>} : memref<16384xf32, #tpu.memory_space<vmem>>, vector<16xf32>,
        %mul3A_356 = arith.constant 4 : i32
        %mul3A_357 = arith.muli %scan3A_85, %mul3A_356 : i32
        %add3A_358 = arith.constant 3 : i32
        %add3A_359 = arith.addi %mul3A_357, %add3A_358 : i32
        %mul3A_360 = arith.constant 16 : i32
        %mul3A_361 = arith.muli %add3A_359, %mul3A_360 : i32
        %get3A_362 = arith.index_cast %mul3A_361 : i32 to index
        %get3A_363 = tpu.vector_load %arg9[%get3A_362] {strides = array<i32>} : memref<16384xf32, #tpu.memory_space<vmem>>, vector<16xf32>,
        %get3A_364 = vector.shape_cast %get3A_363 : vector<16xf32> to vector<16xf32>
        %mul3A_365 = arith.constant 6.553600e+04 : f32
        %mul3A_366 = vector.broadcast %mul3A_365 : f32 to vector<16xf32>
        %mul3A_367 = arith.mulf %get3A_364, %mul3A_366 : vector<16xf32>
        %convert_element_type3A_368 = arith.fptosi %mul3A_367 : vector<16xf32> to vector<16xi32>
        %broadcast_in_dim3A_369 = arith.constant 0 : i32
        %broadcast_in_dim3A_370 = vector.broadcast %broadcast_in_dim3A_369 : i32 to vector<16xi32>
        %add3A_371 = arith.constant 7 : i32
        %add3A_372 = vector.broadcast %add3A_371 : i32 to vector<16xi32>
        %add3A_373 = arith.addi %broadcast_in_dim3A_370, %add3A_372 : vector<16xi32>
        %broadcast_in_dim3A_374 = vector.shape_cast %add3A_373 : vector<16xi32> to vector<16x1xi32>
        %gather3A_375 = vector.shape_cast %broadcast_in_dim3A_374 : vector<16x1xi32> to vector<16xi32>
        %gather3A_376 = tpu.dynamic_gather %get3A_4[%gather3A_375] in [0] : vector<16xf32>, vector<16xi32> -> vector<16xf32>
        %ge3A_377 = arith.cmpf oge, %mul3A_367, %gather3A_376 : vector<16xf32>
        %jit3A_378 = arith.constant 8 : i32
        %jit3A_379 = arith.constant 0 : i32
        %broadcast_in_dim3A_380 = vector.broadcast %jit3A_378 : i32 to vector<16xi32>
        %broadcast_in_dim3A_381 = vector.broadcast %jit3A_379 : i32 to vector<16xi32>
        %select_n3A_382 = arith.select %ge3A_377, %broadcast_in_dim3A_380, %broadcast_in_dim3A_381 : vector<16xi1>, vector<16xi32>
        %add3A_383 = arith.addi %broadcast_in_dim3A_370, %select_n3A_382 : vector<16xi32>
        %add3A_384 = arith.constant 3 : i32
        %add3A_385 = vector.broadcast %add3A_384 : i32 to vector<16xi32>
        %add3A_386 = arith.addi %add3A_383, %add3A_385 : vector<16xi32>
        %broadcast_in_dim3A_387 = vector.shape_cast %add3A_386 : vector<16xi32> to vector<16x1xi32>
        %gather3A_388 = vector.shape_cast %broadcast_in_dim3A_387 : vector<16x1xi32> to vector<16xi32>
        %gather3A_389 = tpu.dynamic_gather %get3A_4[%gather3A_388] in [0] : vector<16xf32>, vector<16xi32> -> vector<16xf32>
        %ge3A_390 = arith.cmpf oge, %mul3A_367, %gather3A_389 : vector<16xf32>
        %jit3A_391 = arith.constant 4 : i32
        %jit3A_392 = arith.constant 0 : i32
        %broadcast_in_dim3A_393 = vector.broadcast %jit3A_391 : i32 to vector<16xi32>
        %broadcast_in_dim3A_394 = vector.broadcast %jit3A_392 : i32 to vector<16xi32>
        %select_n3A_395 = arith.select %ge3A_390, %broadcast_in_dim3A_393, %broadcast_in_dim3A_394 : vector<16xi1>, vector<16xi32>
        %add3A_396 = arith.addi %add3A_383, %select_n3A_395 : vector<16xi32>
        %add3A_397 = arith.constant 1 : i32
        %add3A_398 = vector.broadcast %add3A_397 : i32 to vector<16xi32>
        %add3A_399 = arith.addi %add3A_396, %add3A_398 : vector<16xi32>
        %broadcast_in_dim3A_400 = vector.shape_cast %add3A_399 : vector<16xi32> to vector<16x1xi32>
        %gather3A_401 = vector.shape_cast %broadcast_in_dim3A_400 : vector<16x1xi32> to vector<16xi32>
        %gather3A_402 = tpu.dynamic_gather %get3A_4[%gather3A_401] in [0] : vector<16xf32>, vector<16xi32> -> vector<16xf32>
        %ge3A_403 = arith.cmpf oge, %mul3A_367, %gather3A_402 : vector<16xf32>
        %jit3A_404 = arith.constant 2 : i32
        %jit3A_405 = arith.constant 0 : i32
        %broadcast_in_dim3A_406 = vector.broadcast %jit3A_404 : i32 to vector<16xi32>
        %broadcast_in_dim3A_407 = vector.broadcast %jit3A_405 : i32 to vector<16xi32>
        %select_n3A_408 = arith.select %ge3A_403, %broadcast_in_dim3A_406, %broadcast_in_dim3A_407 : vector<16xi1>, vector<16xi32>
        %add3A_409 = arith.addi %add3A_396, %select_n3A_408 : vector<16xi32>
        %add3A_410 = arith.constant 0 : i32
        %add3A_411 = vector.broadcast %add3A_410 : i32 to vector<16xi32>
        %add3A_412 = arith.addi %add3A_409, %add3A_411 : vector<16xi32>
        %broadcast_in_dim3A_413 = vector.shape_cast %add3A_412 : vector<16xi32> to vector<16x1xi32>
        %gather3A_414 = vector.shape_cast %broadcast_in_dim3A_413 : vector<16x1xi32> to vector<16xi32>
        %gather3A_415 = tpu.dynamic_gather %get3A_4[%gather3A_414] in [0] : vector<16xf32>, vector<16xi32> -> vector<16xf32>
        %ge3A_416 = arith.cmpf oge, %mul3A_367, %gather3A_415 : vector<16xf32>
        %jit3A_417 = arith.constant 1 : i32
        %jit3A_418 = arith.constant 0 : i32
        %broadcast_in_dim3A_419 = vector.broadcast %jit3A_417 : i32 to vector<16xi32>
        %broadcast_in_dim3A_420 = vector.broadcast %jit3A_418 : i32 to vector<16xi32>
        %select_n3A_421 = arith.select %ge3A_416, %broadcast_in_dim3A_419, %broadcast_in_dim3A_420 : vector<16xi1>, vector<16xi32>
        %add3A_422 = arith.addi %add3A_409, %select_n3A_421 : vector<16xi32>
        %broadcast_in_dim3A_423 = vector.shape_cast %add3A_422 : vector<16xi32> to vector<16x1xi32>
        %gather3A_424 = vector.shape_cast %broadcast_in_dim3A_423 : vector<16x1xi32> to vector<16xi32>
        %gather3A_425 = tpu.dynamic_gather %get3A_7[%gather3A_424] in [0] : vector<16xi32>, vector<16xi32> -> vector<16xi32>
        %and3A_426 = arith.constant 7 : i32
        %and3A_427 = vector.broadcast %and3A_426 : i32 to vector<16xi32>
        %and3A_428 = arith.andi %gather3A_425, %and3A_427 : vector<16xi32>
        %shift_left3A_429 = arith.constant 28 : i32
        %shift_left3A_430 = vector.broadcast %shift_left3A_429 : i32 to vector<16xi32>
        %shift_left3A_431 = arith.shli %gather3A_425, %shift_left3A_430 : vector<16xi32>
        %shift_right_arithmetic3A_432 = arith.constant 31 : i32
        %shift_right_arithmetic3A_433 = vector.broadcast %shift_right_arithmetic3A_432 : i32 to vector<16xi32>
        %shift_right_arithmetic3A_434 = arith.shrsi %shift_left3A_431, %shift_right_arithmetic3A_433 : vector<16xi32>
        %shift_right_arithmetic3A_435 = arith.constant 4 : i32
        %shift_right_arithmetic3A_436 = vector.broadcast %shift_right_arithmetic3A_435 : i32 to vector<16xi32>
        %shift_right_arithmetic3A_437 = arith.shrsi %gather3A_425, %shift_right_arithmetic3A_436 : vector<16xi32>
        %shift_right_arithmetic3A_438 = arith.shrsi %convert_element_type3A_368, %and3A_428 : vector<16xi32>
        %xor3A_439 = arith.xori %shift_right_arithmetic3A_438, %shift_right_arithmetic3A_434 : vector<16xi32>
        %sub3A_440 = arith.subi %xor3A_439, %shift_right_arithmetic3A_434 : vector<16xi32>
        %add3A_441 = arith.addi %shift_right_arithmetic3A_437, %sub3A_440 : vector<16xi32>
        %convert_element_type3A_442 = arith.sitofp %add3A_441 : vector<16xi32> to vector<16xf32>
        %mul3A_443 = arith.constant 1.52587891E-5 : f32
        %mul3A_444 = vector.broadcast %mul3A_443 : f32 to vector<16xf32>
        %mul3A_445 = arith.mulf %convert_element_type3A_442, %mul3A_444 : vector<16xf32>
        %swap3A_446 = arith.index_cast %mul3A_361 : i32 to index
        %swap3A_447 = tpu.vector_load %arg11[%swap3A_446] {strides = array<i32>} : memref<16384xf32, #tpu.memory_space<vmem>>, vector<16xf32>,
        %swap3A_448 = vector.shape_cast %swap3A_447 : vector<16xf32> to vector<16xf32>
        %swap3A_449 = vector.shape_cast %mul3A_445 : vector<16xf32> to vector<16xf32>
        tpu.vector_store %arg11[%swap3A_446], %swap3A_449 {strides = array<i32>} : memref<16384xf32, #tpu.memory_space<vmem>>, vector<16xf32>,
      }
      %scan3A_65 = arith.constant 256 : i32
      %add3A_66 = arith.constant 1 : i32
      %add3A_67 = arith.addi %mul3A_21, %add3A_66 : i32
      %mul3A_68 = arith.constant 16384 : i32
      %mul3A_69 = arith.muli %add3A_67, %mul3A_68 : i32
      %add3A_70 = arith.addi %mul3A_2, %mul3A_69 : i32
      %dma_start3A_71 = tpu.memref_slice %arg5[%add3A_70] : memref<16777216xf32, #tpu.memory_space<hbm>> -> memref<16384xf32, #tpu.memory_space<hbm>>
      %dma_start3A_72 = tpu.memref_slice %arg5[%add3A_70] : memref<16777216xf32, #tpu.memory_space<hbm>> -> memref<16384xf32, #tpu.memory_space<hbm>>
      tpu.enqueue_dma source(%arg11 : memref<16384xf32, #tpu.memory_space<vmem>>) target(%dma_start3A_72 : memref<16384xf32, #tpu.memory_space<hbm>>) target_semaphore(%arg15 : memref<!tpu.dma_semaphore, #tpu.memory_space<semaphore_mem>>)
      %mul3A_73 = arith.constant 16384 : i32
      %mul3A_74 = arith.muli %mul3A_21, %mul3A_73 : i32
      %add3A_75 = arith.addi %mul3A_2, %mul3A_74 : i32
      %dma_wait3A_76 = tpu.memref_slice %arg5[%add3A_75] : memref<16777216xf32, #tpu.memory_space<hbm>> -> memref<16384xf32, #tpu.memory_space<hbm>>
      %dma_wait3A_77 = tpu.memref_slice %arg5[%add3A_75] : memref<16777216xf32, #tpu.memory_space<hbm>> -> memref<16384xf32, #tpu.memory_space<hbm>>
      tpu.wait_dma2 semaphore(%arg14 : memref<!tpu.dma_semaphore, #tpu.memory_space<semaphore_mem>>) src(%arg10 : memref<16384xf32, #tpu.memory_space<vmem>>) dst(%dma_wait3A_77 : memref<16384xf32, #tpu.memory_space<hbm>>)
      %add3A_78 = arith.constant 1 : i32
      %add3A_79 = arith.addi %mul3A_21, %add3A_78 : i32
      %mul3A_80 = arith.constant 16384 : i32
      %mul3A_81 = arith.muli %add3A_79, %mul3A_80 : i32
      %add3A_82 = arith.addi %mul3A_2, %mul3A_81 : i32
      %dma_wait3A_83 = tpu.memref_slice %arg5[%add3A_82] : memref<16777216xf32, #tpu.memory_space<hbm>> -> memref<16384xf32, #tpu.memory_space<hbm>>
      %dma_wait3A_84 = tpu.memref_slice %arg5[%add3A_82] : memref<16777216xf32, #tpu.memory_space<hbm>> -> memref<16384xf32, #tpu.memory_space<hbm>>
      tpu.wait_dma2 semaphore(%arg15 : memref<!tpu.dma_semaphore, #tpu.memory_space<semaphore_mem>>) src(%arg11 : memref<16384xf32, #tpu.memory_space<vmem>>) dst(%dma_wait3A_84 : memref<16384xf32, #tpu.memory_space<hbm>>)
    }
    %scan3A_15 = arith.constant 16 : i32
    %add3A_16 = arith.constant 0 : i32
    %add3A_17 = arith.addi %mul3A_2, %add3A_16 : i32
    %dma_wait3A = tpu.memref_slice %arg4[%add3A_17] : memref<16777216xf32, #tpu.memory_space<hbm>> -> memref<16384xf32, #tpu.memory_space<hbm>>
    %dma_wait3A_18 = tpu.memref_slice %arg4[%add3A_17] : memref<16777216xf32, #tpu.memory_space<hbm>> -> memref<16384xf32, #tpu.memory_space<hbm>>
    tpu.wait_dma2 semaphore(%arg12 : memref<!tpu.dma_semaphore, #tpu.memory_space<semaphore_mem>>) src(%dma_wait3A_18 : memref<16384xf32, #tpu.memory_space<hbm>>) dst(%arg8 : memref<16384xf32, #tpu.memory_space<vmem>>)
    return
  }
}

</mosaic_0001>

<sc_bundles>
// kernel: kernel.3.cloned.1.call-start
scs
__scs_entry_jumppad:
0x0: {  	(pc) =	sbr.rel $0x88, $3  }
0x1: {  	(tag) =	ssettag $0x0;
	lr =	simm.s32 $0x1  }
0x2: {  	[smem:$0x3F9C] =	sst lr;
	_ =	strace $0xD0000000  }
0x3: {  	_ = 	snop  }
0x4: {  	_ = 	snop  }
0x5: {  	_ = 	snop  }
0x6: {  	_ = 	snop  }
0x7: {  	_ = 	snop  }
__scs_overlays_trampoline_lowered:
0x8: {  	[smem:$0x3FAB] =	sst s0  }
0x9: {  	[smem:$0x3FAC] =	sst s1  }
0xa: {  	[smem:$0x3FAD] =	sst s2  }
0xb: {  	[smem:$0x3FAE] =	sst s3  }
0xc: {  	[smem:$0x3FAF] =	sst s4  }
0xd: {  	[smem:$0x3FB0] =	sst s5  }
0xe: {  	[smem:$0x3FB1] =	sst s6  }
0xf: {  	[smem:$0x3FB2] =	sst s7  }
0x10: {  	[smem:$0x3FB3] =	sst s8  }
0x11: {  	[smem:$0x3FB4] =	sst s9;
	s0 =	simm.s32 @!p0 $0x0  }
0x12: {  	s1 =	sld [smem:$0x3F9A];
	s0 =	simm.s32 @p0 $0x1  }
0x13: {  	[smem:$0x3FB5] =	sst s0;
	s0 =	simm.s32 @!p1 $0x0  }
0x14: {  	s2 =	sld [smem:$0x3F99];
	s0 =	simm.s32 @p1 $0x1  }
0x15: {  	[smem:$0x3FB6] =	sst s0;
	s0 =	simm.s32 @!p2 $0x0  }
0x16: {  	s3 =	sld [smem:$0x3FDB];
	s0 =	simm.s32 @p2 $0x1  }
0x17: {  	s4 =	simm.s32 $0x1BF5;
	[smem:$0x3FB8] =	sst s0  }
0x18: {  	s0 =	sld [smem:$0x3F9B];
	_ =	swait.ge [sflag:s4], $0x0  }
0x19: {  	s7 =	sld [smem:$0x3F9C]  }
0x1a: {  	s8 =	sadd.s32 $0xFFFFE003, lr  }
0x1b: {  	s9 =	sadd.s32 $0xFFFFFEF7, lr;
	s5 =	simm.s32 $0xFFFFFFFF;
	p2 =	slt.u32 s8, $0xFFFFF086  }
0x1c: {  	p1 =	slt.u32 s9, $0xF7A;
	s5 =	simm.s32 @!p2 $0x0  }
0x1d: {  	s5 =	simm.s32 @p1 $0x1;
	p0 =	seq.s32 s7, s2  }
0x1e: {  	s7 =	smul.u32 @!p0 $0xF7A, s2;
	p2 =	seq.s32 @!p0 s5, $0x0  }
0x1f: {  	s9 =	smul.u32 $0xF7A, s1;
	s8 =	simm.s32 @!p0 $0x1BF5;
	p2 =	por !p2, p0  }
0x20: {  	[sflag:s8] =	ssyncset.s32 @!p0 $0xFFFFF086;
	s6 =	sadd.s32 @!p0 s3, s7;
	s7 =	simm.s32 @!p0 $0x108  }
0x21: {  	s3 =	sadd.s32 s3, s9;
	s6 =	sadd.s32 @!p0 $0x88, s6;
	s7 =	simm.s32 @p2 $0x1082  }
0x22: {  	[simem:s7], [sflag:s8] =	dma.local @!p0 [hbm:s6], $0xF7A  }
0x23: {  	s9 =	sor.u32 $0xD0000000, s2;
	s6 =	simm.s32 $0x108;
	_ =	swait.ge @!p0 [sflag:s8], $0x0  }
0x24: {  	s3 =	sadd.s32 $0x88, s3;
	s6 =	simm.s32 @!p1 $0x1082;
	[sflag:s4] =	ssyncset.s32 $0xFFFFF086  }
0x25: {  	[simem:s6], [sflag:s4] =	dma.local [hbm:s3], $0xF7A  }
0x26: {  	[smem:$0x3F9C] =	sst s1;
	(tag) =	ssettag s2;
	_ =	strace s9  }
0x27: {  	s1 =	sld [smem:$0x3FAC]  }
0x28: {  	s2 =	sld [smem:$0x3FAD]  }
0x29: {  	s4 =	sld [smem:$0x3FAF]  }
0x2a: {  	p0 =	seq.s32 s5, $0x0;
	s5 =	sld [smem:$0x3FB0]  }
0x2b: {  	s6 =	sld [smem:$0x3FB1]  }
0x2c: {  	s7 =	sld [smem:$0x3FB2]  }
0x2d: {  	s3 =	simm.s32 $0x108;
	s8 =	sld [smem:$0x3FB3]  }
0x2e: {  	s3 =	simm.s32 @!p0 $0x1082;
	s9 =	sld [smem:$0x3FB4]  }
0x2f: {  	lr =	sadd.s32 s0, s3;
	s0 =	sld [smem:$0x3FAB]  }
0x30: {  	s3 =	sld [smem:$0x3FAE]  }
0x31: {  	[smem:$0x3FB7] =	sst s10  }
0x32: {  	s10 =	sld [smem:$0x3FB5];
	_ =	sdelay $0x3  }
0x33: {  	p0 =	seq.s32 s10, $0x1;
	s10 =	sld [smem:$0x3FB7];
	_ =	sdelay $0x3  }
0x34: {  	[smem:$0x3FB7] =	sst s10  }
0x35: {  	s10 =	sld [smem:$0x3FB6];
	_ =	sdelay $0x3  }
0x36: {  	p1 =	seq.s32 s10, $0x1;
	s10 =	sld [smem:$0x3FB7];
	_ =	sdelay $0x3  }
0x37: {  	[smem:$0x3FB7] =	sst s10  }
0x38: {  	s10 =	sld [smem:$0x3FB8]  }
0x39: {  	_ = 	snop;
	(pc) =	sbr.ind lr, $3  }
0x3a: {  	_ = 	snop  }
0x3b: {  	_ = 	snop  }
0x3c: {  	p2 =	seq.s32 s10, $0x1;
	s10 =	sld [smem:$0x3FB7]  }
0x3d: {  	_ =	shalt  }
0x3e: {  	_ =	shalt  }
0x3f: {  	_ =	shalt  }
0x40: {  	_ =	shalt  }
0x41: {  	_ =	shalt  }
0x42: {  	_ =	shalt  }
0x43: {  	_ =	shalt  }
0x44: {  	_ =	shalt  }
0x45: {  	_ =	shalt  }
0x46: {  	_ =	shalt  }
0x47: {  	_ =	shalt  }
0x48: {  	_ =	shalt  }
0x49: {  	_ =	shalt  }
0x4a: {  	_ =	shalt  }
0x4b: {  	_ =	shalt  }
0x4c: {  	_ =	shalt  }
0x4d: {  	_ =	shalt  }
0x4e: {  	_ =	shalt  }
0x4f: {  	_ =	shalt  }
0x50: {  	_ =	shalt  }
0x51: {  	_ =	shalt  }
0x52: {  	_ =	shalt  }
0x53: {  	_ =	shalt  }
0x54: {  	_ =	shalt  }
0x55: {  	_ =	shalt  }
0x56: {  	_ =	shalt  }
0x57: {  	_ =	shalt  }
0x58: {  	_ =	shalt  }
0x59: {  	_ =	shalt  }
0x5a: {  	_ =	shalt  }
0x5b: {  	_ =	shalt  }
0x5c: {  	_ =	shalt  }
0x5d: {  	_ =	shalt  }
0x5e: {  	_ =	shalt  }
0x5f: {  	_ =	shalt  }
0x60: {  	_ =	shalt  }
0x61: {  	_ =	shalt  }
0x62: {  	_ =	shalt  }
0x63: {  	_ =	shalt  }
0x64: {  	_ =	shalt  }
0x65: {  	_ =	shalt  }
0x66: {  	_ =	shalt  }
0x67: {  	_ =	shalt  }
0x68: {  	_ =	shalt  }
0x69: {  	_ =	shalt  }
0x6a: {  	_ =	shalt  }
0x6b: {  	_ =	shalt  }
0x6c: {  	_ =	shalt  }
0x6d: {  	_ =	shalt  }
0x6e: {  	_ =	shalt  }
0x6f: {  	_ =	shalt  }
0x70: {  	_ =	shalt  }
0x71: {  	_ =	shalt  }
0x72: {  	_ =	shalt  }
0x73: {  	_ =	shalt  }
0x74: {  	_ =	shalt  }
0x75: {  	_ =	shalt  }
0x76: {  	_ =	shalt  }
0x77: {  	_ =	shalt  }
0x78: {  	_ =	shalt  }
0x79: {  	_ =	shalt  }
0x7a: {  	_ =	shalt  }
0x7b: {  	_ =	shalt  }
0x7c: {  	_ =	shalt  }
0x7d: {  	_ =	shalt  }
0x7e: {  	_ =	shalt  }
0x7f: {  	_ =	shalt  }
0x80: {  	_ =	shalt  }
0x81: {  	_ =	shalt  }
0x82: {  	_ =	shalt  }
0x83: {  	_ =	shalt  }
0x84: {  	_ =	shalt  }
0x85: {  	_ =	shalt  }
0x86: {  	_ =	shalt  }
0x87: {  	_ =	shalt  }
.Lfunc_end0:
.L_simem_size_0:
called_computation_lowered:
.L_overlay_start_0:
0x88: {  	s2 =	sld [smem:$0x3FD9]  }
0x89: {  	s3 =	sld [smem:$0x3FFE];
	_ =	sdelay $0x1  }
0x8a: {  	s1 =	srdreg.scid  }
0x8b: {  	s0 =	sand.u32 $0x1, s1  }
0x8c: {  	s17 =	sshll.u32 s0, $0xA;
	s2 =	sadd.s32 s3, s2  }
0x8d: {  	s2 =	sadd.s32 s2, s17  }
0x8e: {  	[smem:$0x3FC3] =	sst s2  }
0x8f: {  	_ = 	snop  }
0x90: {  	s2 =	sld [smem:$0x3FC9]  }
0x91: {  	s18 =	sld [smem:$0x3FD0];
	(tm) =	ssettm $0x1  }
0x92: {  	s4 =	sld [smem:$0x3FFB];
	_ =	sdelay $0x3  }
0x93: {  	_ =	strace s4  }
0x94: {  	s4 =	sld [smem:$0x3FFC];
	_ =	sdelay $0x3  }
0x95: {  	_ =	strace s4  }
0x96: {  	s4 =	sld [smem:$0x3FFD];
	_ =	sdelay $0x3  }
0x97: {  	_ =	strace s4  }
0x98: {  	_ =	strace $0x8FFFFFFF  }
0x99: {  	s19 =	sld [smem:$0x3FDB];
	_ =	sdelay $0x1  }
0x9a: {  	s5 =	simm.s32 $_scs_section_size  }
0x9b: {  	s6 =	simm.s32 $_size__tile_overlayer_lowered;
	s7 =	simm.s32 $_tile_overlayer_lowered  }
0x9c: {  	s22 =	simm.s32 $0x1BFF;
	s21 =	sshll.u32 s7, $0x1;
	s4 =	sadd.s32 s5, s19  }
0x9d: {  	s8 =	simm.s32 $0x0;
	s20 =	sshll.u32 s6, $0x1;
	s6 =	sadd.s32 s21, s4  }
0x9e: {  	[timem:s8], [sflag:s22] =	dma.local [hbm:s6], s20  }
0x9f: {  	_ =	swait.ge [sflag:s22], s20  }
0xa0: {  	s5 =	ssub.s32 $0x0, s20;
	[sflag:s22] =	ssyncset.done $0x0  }
0xa1: {  	[sflag:s22] =	ssyncadd.s32 s5;
	_ =	sdelay $0x1  }
0xa2: {  	s23 =	simm.s32 $0x1B8B  }
0xa3: {  	_ =	swait.ge [sflag:s23], $0x1  }
0xa4: {  	[sflag:s23] =	ssyncset.done $0x0  }
0xa5: {  	s25 =	simm.s32 $0x1B8E;
	s24 =	sld [smem:$0x3FFE];
	[sflag:s23] =	ssyncadd.s32 $0xFFFFFFFF  }
0xa6: {  	s26 =	simm.s32 $execute0_lowered;
	[smem:$0x3FD2] =	sst s25  }
0xa7: {  	s6 =	sshll.u32 s26, $0x1;
	_ =	strace $0x80000046;
	[dreg:$0x1] =	wrdreg $0xFFFFFFFF  }
0xa8: {  	s28 =	simm.s32 $_size_execute0_lowered;
	s4 =	sadd.s32 s4, s6;
	[dreg:$0x0] =	wrdreg $0x0  }
0xa9: {  	s6 =	sshll.u32 s28, $0x1;
	[dreg:$0x2] =	wrdreg s4  }
0xaa: {  	[dreg:$0x3] =	wrdreg s6  }
0xab: {  	[dreg:$0x4] =	wrdreg $0xC0  }
0xac: {  	_ =	task [dreg:s8], $0x5FFFF  }
0xad: {  	[dreg:$0x1] =	wrdreg $0xFFFFFFFF  }
0xae: {  	[dreg:$0x0] =	wrdreg $0x60  }
0xaf: {  	[dreg:$0x2] =	wrdreg s24  }
0xb0: {  	[dreg:$0x3] =	wrdreg s2  }
0xb1: {  	[dreg:$0x4] =	wrdreg s18  }
0xb2: {  	[dreg:$0x5] =	wrdreg $0x9  }
0xb3: {  	_ =	task.clear_ibuf [dreg:s8], $0x6FFFF;
	_ =	strace $0x90000046  }
0xb4: {  	s29 =	simm.s32 $0x9;
	_ =	strace $0x80000048  }
0xb5: {  	_ =	swait.ge [sflag:s29], $0x1  }
0xb6: {  	[sflag:s29] =	ssyncadd.s32 $0xFFFFFFFF  }
0xb7: {  	_ =	strace $0x90000048  }
0xb8: {  	_ =	sfence  }
0xb9: {  	s30 =	sld [smem:$0x0];
	_ =	sdelay $0x2  }
0xba: {  	s31 =	sshll.u32 s1, $0xD;
	s1 =	sshrl.u32 s1, $0x2  }
0xbb: {  	s3 =	sand.u32 $0x4000, s31;
	s1 =	sadd.s32 s1, s30  }
0xbc: {  	s0 =	sor.u32 s3, s0;
	s1 =	sshll.u32 s1, $0x11  }
0xbd: {  	s0 =	sor.u32 s1, s0  }
0xbe: {  	s0 =	sadd.s32 $0x8F2B, s0  }
0xbf: {  	[sflag:s0] =	ssyncadd.remote.s32 $0x1  }
0xc0: {  	_ =	sfence.sel $0xFFFF  }
0xc1: {  	[dreg:$0x0] =	wrdreg $0xFFFFFFFF;
	(pc) =	sbr.abs _section_cstart, $3  }
0xc2: {  	[dreg:$0x1] =	wrdreg $0xFFFFFFFF  }
0xc3: {  	_ =	task.clear_ibuf [dreg:s8], $0x2FFFF;
	_ =	strace $0x9FFFFFFF  }
0xc4: {  	(tm) =	ssettm $0x7FFFFFFF  }
0xc5: {  	_ =	shalt  }
tec
execute0_lowered:
.L_overlay_start_1:
0x0: {  	(tag) =	ssettag $0x1  }
0x1: {  	s7 =	rddreg [dreg:$0x0]  }
0x2: {  	s1 =	rddreg [dreg:$0x1]  }
0x3: {  	s2 =	rddreg [dreg:$0x2]  }
0x4: {  	s0 =	rddreg [dreg:$0x3];
	s4 =	simm.s32 $0x0;
	s5 =	srdreg.scid  }
0x5: {  	s3 =	stileid.u32;
	s11 =	simm.s32 $0x5;
	s12 =	simm.s32 $0x80  }
0x6: {  	s13 =	simm.s32 $0x100;
	s14 =	simm.s32 $0x1;
	s15 =	simm.s32 $0x4100  }
0x7: {  	s16 =	simm.s32 $0x8100;
	s17 =	simm.s32 $0x2;
	s18 =	simm.s32 $0xC100  }
0x8: {  	s19 =	simm.s32 $0x3;
	s20 =	simm.s32 $0x4;
	s21 =	simm.s32 $0x0  }
0x9: {  	[smem:$0x7FF] =	sst s4;
	s6 =	sand.u32 $0x1, s5;
	s8 =	sshll.u32 s3, $0x14  }
0xa: {  	s5 =	sadd.s32 $0x400, s7;
	s9 =	sshll.u32 s6, $0x13;
	s10 =	ssub.s32 $0x2, s6  }
0xb: {  	s7 =	sadd.s32 $0x600, s7;
	s6 =	sor.u32 s9, s8;
	s31 =	sshrl.u32 s10, $0x1  }
0xc: {  	_ =	strace $0x80000047;
	s9 =	sshrl.u32 s6, $0x3;
	s10 =	ssub.s32 s10, s31  }
0xd: {  	v0 =	vimm.s32 $0x7;
	v1 =	vimm.s32 $0x0;
	s8 =	sadd.s32 s1, s9;
	s9 =	sor.u32 $0x8000, s6;
	s10 =	smax.u32 s10, $0x1  }
.LBB2_1:
0xe: {  	[tilespmem:s4], [sflag:$0x5] =	stream.linear.gather [hbm4b:s5+s4], $0x80, $0x38;
	[tilespmem:$0x10100] =	vst v63  }
0xf: {  	_ =	swait.ge [sflag:s11], $0x80  }
0x10: {  	[sflag:s11] =	ssyncset.done $0x0  }
0x11: {  	[sflag:s11] =	ssyncadd.s32 $0xFFFFFF80  }
0x12: {  	[tilespmem:s12], [sflag:$0x5] =	stream.linear.gather [hbm4b:s7+s4], $0x80, $0x38;
	[tilespmem:$0x10100] =	vst v63  }
0x13: {  	_ =	swait.ge [sflag:s11], $0x80  }
0x14: {  	[sflag:s11] =	ssyncset.done $0x0  }
0x15: {  	[sflag:s11] =	ssyncadd.s32 $0xFFFFFF80  }
0x16: {  	v2 =	vld [tilespmem:$0x0];
	_ =	sdelay $0x2  }
0x17: {  	v3 =	vld [tilespmem:$0x80]  }
0x18: {  	s22 =	simm.s32 $0x0  }
0x19: {  	[tilespmem:s13], [sflag:$0x1] =	stream.linear.gather [hbm4b:s8+s4], $0x4000, $0x38;
	v4 =	vperm.xlane v2, v0;
	[tilespmem:$0x10100] =	vst v63  }
.LBB2_2:
0x1a: {  	s23 =	sshll.u32 s22, $0xF  }
0x1b: {  	s23 =	sor.u32 s23, s6  }
0x1c: {  	_ =	swait.ge [sflag:s14], $0x4000;
	s24 =	sshrl.u32 s23, $0x3  }
0x1d: {  	[sflag:s14] =	ssyncset.done $0x0;
	s23 =	sor.u32 $0x800, s24  }
0x1e: {  	s26 =	simm.s32 $0x0;
	[sflag:s14] =	ssyncadd.s32 $0xFFFFC000;
	s25 =	sadd.s32 s1, s23  }
0x1f: {  	[tilespmem:s15], [sflag:$0x2] =	stream.linear.gather [hbm4b:s25+s26], $0x4000, $0x38;
	[tilespmem:$0x10100] =	vst v63  }
0x20: {  	s25 =	simm.s32 $0x0  }
0x21: {  	v5 =	vld [tilespmem:s25+$0x120]  }
0x22: {  	v6 =	vld [tilespmem:s25+$0x130]  }
0x23: {  	v7 =	vld [tilespmem:s25+$0x110]  }
0x24: {  	v8 =	vld [tilespmem:s25+$0x100];
	_ =	sdelay $0x2  }
0x25: {  	v9 =	vmul.f32 $6.553600000e+04, v5;
	v6 =	vmul.f32 $6.553600000e+04, v6  }
0x26: {  	v5 =	vmul.f32 $6.553600000e+04, v7  }
0x27: {  	v8 =	vmul.f32 $6.553600000e+04, v8;
	vm0 =	vge.f32 v9, v4;
	vm1 =	vge.f32 v6, v4  }
0x28: {  	v13 =	vtrunc.f32 v6;
	v7 =	vsel vm0, $0x8, v1;
	v10 =	vsel vm1, $0x8, v1  }
0x29: {  	vm0 =	vge.f32 v5, v4;
	v11 =	vor.u32 $0x3, v7;
	v12 =	vor.u32 $0x3, v10  }
0x2a: {  	vm1 =	vge.f32 v8, v4;
	v11 =	vperm.xlane v2, v11;
	v12 =	vperm.xlane v2, v12  }
0x2b: {  	v14 =	vtrunc.f32 v8;
	v15 =	vsel vm1, $0x8, v1;
	v16 =	vsel vm0, $0x8, v1  }
0x2c: {  	v17 =	vor.u32 $0x3, v15;
	vm0 =	vge.f32 v9, v11;
	vm1 =	vge.f32 v6, v12  }
0x2d: {  	v11 =	vor.u32 $0x3, v16;
	v12 =	vsel vm0, $0x4, v1;
	v18 =	vsel vm1, $0x4, v1  }
0x2e: {  	v11 =	vperm.xlane v2, v11;
	v7 =	vor.u32 v12, v7;
	v10 =	vor.u32 v18, v10  }
0x2f: {  	v12 =	vperm.xlane v2, v17;
	v56 =	vor.u32 $0x1, v7;
	v18 =	vor.u32 $0x1, v10  }
0x30: {  	vm0 =	vge.f32 v5, v11;
	v11 =	vperm.xlane v2, v56;
	v57 =	vperm.xlane v2, v18  }
0x31: {  	v58 =	vtrunc.f32 v9;
	vm1 =	vge.f32 v8, v12;
	v12 =	vsel vm0, $0x4, v1  }
0x32: {  	v19 =	vsel vm1, $0x4, v1;
	vm0 =	vge.f32 v9, v11;
	vm1 =	vge.f32 v6, v57  }
0x33: {  	v11 =	vor.u32 v15, v19;
	v15 =	vsel vm0, $0x2, v1;
	v17 =	vsel vm1, $0x2, v1  }
0x34: {  	v12 =	vor.u32 v12, v16;
	v7 =	vor.u32 v15, v7;
	v10 =	vor.u32 v17, v10  }
0x35: {  	v15 =	vor.u32 $0x1, v11;
	v59 =	vperm.xlane v2, v7;
	v17 =	vperm.xlane v2, v10  }
0x36: {  	v18 =	vcvt.f32.s32 v58;
	v60 =	vor.u32 $0x1, v12;
	v15 =	vperm.xlane v2, v15  }
0x37: {  	v19 =	vperm.xlane v2, v60;
	vm0 =	vge.f32 v9, v59;
	vm1 =	vge.f32 v6, v17  }
0x38: {  	vm2 =	vge.f32 v8, v15;
	v6 =	vsel vm0, $0x1, v1;
	v9 =	vsel vm1, $0x1, v1  }
0x39: {  	v15 =	vsel vm2, $0x2, v1;
	v6 =	vor.u32 v6, v7;
	v7 =	vor.u32 v9, v10  }
0x3a: {  	v9 =	vor.u32 v15, v11;
	v6 =	vperm.xlane v3, v6;
	v7 =	vperm.xlane v3, v7  }
0x3b: {  	vm0 =	vge.f32 v5, v19;
	v11 =	vcvt.f32.s32 v13;
	v10 =	vperm.xlane v2, v9  }
0x3c: {  	v13 =	vshll.u32 v6, $0x1C;
	v15 =	vshll.u32 v7, $0x1C;
	v61 =	vshra.s32 v7, $0x4  }
0x3d: {  	vm1 =	vge.f32 v8, v10;
	v8 =	vand.u32 $0x7, v6;
	v63 =	vshra.s32 v6, $0x4  }
0x3e: {  	v6 =	vand.u32 $0x7, v7;
	v62 =	vshra.s32 v13, $0x1F;
	v10 =	vsel vm1, $0x1, v1  }
0x3f: {  	v13 =	vshrl.u32 v13, $0x1F;
	v7 =	vor.u32 v10, v9;
	v9 =	vshrl.u32 v15, $0x1F  }
0x40: {  	v10 =	vshra.s32 v11, v6;
	v6 =	vsel vm0, $0x2, v1;
	v11 =	vshra.s32 v15, $0x1F  }
0x41: {  	v13 =	vadd.s32 v63, v13;
	v9 =	vadd.s32 v61, v9;
	v7 =	vperm.xlane v3, v7  }
0x42: {  	v6 =	vor.u32 v6, v12;
	v12 =	vshra.s32 v18, v8;
	v11 =	vxor.u32 v11, v10  }
0x43: {  	v8 =	vcvt.f32.s32 v14;
	v14 =	vperm.xlane v2, v6;
	v9 =	vadd.s32 v11, v9  }
0x44: {  	v15 =	vand.u32 $0x7, v7;
	v10 =	vshll.u32 v7, $0x1C;
	v9 =	vcvt.s32.f32 v9  }
0x45: {  	v8 =	vshra.s32 v8, v15;
	vm0 =	vge.f32 v5, v14;
	v14 =	vxor.u32 v62, v12  }
0x46: {  	s26 =	simm.s32 $0x100;
	v11 =	vshrl.u32 v10, $0x1F;
	v12 =	vshra.s32 v7, $0x4;
	v7 =	vadd.s32 v14, v13  }
.LBB2_3:
0x47: {  	s28 =	sshra.s32 s26, $0x2;
	p0 =	sne.s32 s26, $0xFF00;
	s26 =	sadd.s32 $0x100, s26;
	v10 =	vshra.s32 v10, $0x1F;
	v11 =	vadd.s32 v12, v11;
	v12 =	vsel vm0, $0x1, v1  }
0x48: {  	v13 =	vld [tilespmem:s28+$0x130];
	v8 =	vxor.u32 v10, v8;
	v6 =	vor.u32 v12, v6;
	v9 =	vmul.f32 $1.525878910e-05, v9  }
0x49: {  	v5 =	vtrunc.f32 v5;
	v10 =	vld [tilespmem:s28+$0x120];
	v8 =	vadd.s32 v8, v11;
	v6 =	vperm.xlane v3, v6  }
0x4a: {  	v5 =	vcvt.f32.s32 v5;
	v11 =	vld [tilespmem:s28+$0x110];
	v8 =	vcvt.s32.f32 v8;
	[tilespmem:s25+$0x8130] =	vst v9  }
0x4b: {  	v9 =	vld [tilespmem:s28+$0x100];
	v12 =	vand.u32 $0x7, v6;
	v14 =	vshll.u32 v6, $0x1C;
	v6 =	vshra.s32 v6, $0x4  }
0x4c: {  	v7 =	vcvt.s32.f32 v7;
	v15 =	vshrl.u32 v14, $0x1F;
	v14 =	vshra.s32 v14, $0x1F  }
0x4d: {  	v12 =	vshra.s32 v5, v12;
	v13 =	vmul.f32 $6.553600000e+04, v13;
	v6 =	vadd.s32 v6, v15  }
0x4e: {  	v7 =	vmul.f32 $1.525878910e-05, v7;
	v10 =	vmul.f32 $6.553600000e+04, v10  }
0x4f: {  	v8 =	vmul.f32 $1.525878910e-05, v8;
	v5 =	vmul.f32 $6.553600000e+04, v11;
	v11 =	vxor.u32 v14, v12  }
0x50: {  	vm1 =	vge.f32 v13, v4;
	vm0 =	vge.f32 v10, v4;
	v6 =	vadd.s32 v11, v6;
	[tilespmem:s25+$0x8120] =	vst v7  }
0x51: {  	v11 =	vsel vm1, $0x8, v1;
	v7 =	vsel vm0, $0x8, v1;
	[tilespmem:s25+$0x8100] =	vst v8;
	v6 =	vcvt.s32.f32 v6  }
0x52: {  	v8 =	vmul.f32 $6.553600000e+04, v9;
	vm0 =	vge.f32 v5, v4;
	v9 =	vor.u32 $0x3, v7  }
0x53: {  	v12 =	vor.u32 $0x3, v11;
	v9 =	vperm.xlane v2, v9;
	v6 =	vmul.f32 $1.525878910e-05, v6  }
0x54: {  	v14 =	vtrunc.f32 v13;
	v12 =	vperm.xlane v2, v12;
	vm1 =	vge.f32 v8, v4  }
0x55: {  	v17 =	vsel vm0, $0x8, v1;
	v15 =	vtrunc.f32 v8;
	v16 =	vsel vm1, $0x8, v1;
	[tilespmem:s25+$0x8110] =	vst v6;
	s25 =	smov.u32 s28  }
0x56: {  	vm1 =	vge.f32 v13, v12;
	v6 =	vor.u32 $0x3, v16;
	vm0 =	vge.f32 v10, v9  }
0x57: {  	v9 =	vor.u32 $0x3, v17;
	v18 =	vsel vm1, $0x4, v1;
	v12 =	vsel vm0, $0x4, v1  }
0x58: {  	v9 =	vperm.xlane v2, v9;
	v11 =	vor.u32 v18, v11;
	v7 =	vor.u32 v12, v7  }
0x59: {  	v6 =	vperm.xlane v2, v6;
	v18 =	vor.u32 $0x1, v11;
	v12 =	vor.u32 $0x1, v7  }
0x5a: {  	vm0 =	vge.f32 v5, v9;
	v9 =	vperm.xlane v2, v12;
	v12 =	vperm.xlane v2, v18  }
0x5b: {  	vm1 =	vge.f32 v8, v6;
	v6 =	vsel vm0, $0x4, v1;
	v18 =	vtrunc.f32 v10  }
0x5c: {  	v19 =	vsel vm1, $0x4, v1;
	vm0 =	vge.f32 v10, v9;
	vm1 =	vge.f32 v13, v12  }
0x5d: {  	v9 =	vor.u32 v16, v19;
	v12 =	vsel vm0, $0x2, v1;
	v16 =	vsel vm1, $0x2, v1  }
0x5e: {  	v6 =	vor.u32 v6, v17;
	v7 =	vor.u32 v12, v7;
	v11 =	vor.u32 v16, v11  }
0x5f: {  	v12 =	vor.u32 $0x1, v9;
	v16 =	vperm.xlane v2, v7;
	v17 =	vperm.xlane v2, v11  }
0x60: {  	v18 =	vcvt.f32.s32 v18;
	v19 =	vor.u32 $0x1, v6;
	v12 =	vperm.xlane v2, v12  }
0x61: {  	v19 =	vperm.xlane v2, v19;
	vm0 =	vge.f32 v10, v16;
	vm1 =	vge.f32 v13, v17  }
0x62: {  	vm2 =	vge.f32 v8, v12;
	v10 =	vsel vm0, $0x1, v1;
	v12 =	vsel vm1, $0x1, v1  }
0x63: {  	v13 =	vsel vm2, $0x2, v1;
	v7 =	vor.u32 v10, v7;
	v10 =	vor.u32 v12, v11  }
0x64: {  	v9 =	vor.u32 v13, v9;
	v7 =	vperm.xlane v3, v7;
	v10 =	vperm.xlane v3, v10  }
0x65: {  	vm0 =	vge.f32 v5, v19;
	v12 =	vcvt.f32.s32 v14;
	v11 =	vperm.xlane v2, v9  }
0x66: {  	v13 =	vshll.u32 v7, $0x1C;
	v14 =	vshll.u32 v10, $0x1C;
	v16 =	vshra.s32 v10, $0x4  }
0x67: {  	vm1 =	vge.f32 v8, v11;
	v8 =	vand.u32 $0x7, v7;
	v17 =	vshra.s32 v13, $0x1F  }
0x68: {  	v7 =	vshra.s32 v7, $0x4;
	v10 =	vand.u32 $0x7, v10;
	v11 =	vsel vm1, $0x1, v1  }
0x69: {  	v10 =	vshra.s32 v12, v10;
	v9 =	vor.u32 v11, v9;
	v11 =	vshrl.u32 v14, $0x1F  }
0x6a: {  	v12 =	vsel vm0, $0x2, v1;
	v14 =	vshra.s32 v14, $0x1F;
	v11 =	vadd.s32 v16, v11  }
0x6b: {  	v6 =	vor.u32 v12, v6;
	v12 =	vshra.s32 v18, v8;
	v9 =	vperm.xlane v3, v9  }
.Ltmp0:
0x6c: {  	v13 =	vshrl.u32 v13, $0x1F;
	v8 =	vcvt.f32.s32 v15;
	v15 =	vperm.xlane v2, v6;
	(pc) =	sbr.rel @p0 .LBB2_3-.Ltmp0, $4  }
0x6d: {  	v7 =	vadd.s32 v7, v13;
	v13 =	vxor.u32 v14, v10;
	v16 =	vand.u32 $0x7, v9  }
0x6e: {  	v13 =	vadd.s32 v13, v11;
	v10 =	vshll.u32 v9, $0x1C;
	v8 =	vshra.s32 v8, v16  }
0x6f: {  	v14 =	vxor.u32 v17, v12;
	vm0 =	vge.f32 v5, v15;
	v11 =	vshrl.u32 v10, $0x1F  }
0x70: {  	v7 =	vadd.s32 v14, v7;
	v12 =	vshra.s32 v9, $0x4;
	v9 =	vcvt.s32.f32 v13  }
0x71: {  	v13 =	vsel vm0, $0x1, v1  }
0x72: {  	v10 =	vshra.s32 v10, $0x1F;
	v11 =	vadd.s32 v12, v11;
	v6 =	vor.u32 v13, v6  }
0x73: {  	v5 =	vtrunc.f32 v5;
	v8 =	vxor.u32 v10, v8;
	v6 =	vperm.xlane v3, v6  }
0x74: {  	v5 =	vcvt.f32.s32 v5;
	v8 =	vadd.s32 v8, v11  }
0x75: {  	v10 =	vand.u32 $0x7, v6;
	v11 =	vshll.u32 v6, $0x1C;
	v6 =	vshra.s32 v6, $0x4  }
0x76: {  	v12 =	vshrl.u32 v11, $0x1F;
	v11 =	vshra.s32 v11, $0x1F;
	v5 =	vshra.s32 v5, v10  }
0x77: {  	v7 =	vcvt.s32.f32 v7;
	v6 =	vadd.s32 v6, v12;
	v5 =	vxor.u32 v11, v5  }
0x78: {  	v9 =	vmul.f32 $1.525878910e-05, v9;
	v8 =	vcvt.s32.f32 v8;
	v5 =	vadd.s32 v5, v6  }
0x79: {  	v6 =	vmul.f32 $1.525878910e-05, v7;
	v5 =	vcvt.s32.f32 v5  }
0x7a: {  	[tilespmem:s25+$0x8130] =	vst v9;
	v7 =	vmul.f32 $1.525878910e-05, v8  }
0x7b: {  	[tilespmem:s25+$0x8120] =	vst v6;
	v5 =	vmul.f32 $1.525878910e-05, v5  }
0x7c: {  	s30 =	sshll.u32 s22, $0x1;
	[tilespmem:s25+$0x8100] =	vst v7  }
0x7d: {  	s24 =	sadd.s32 s2, s24;
	s26 =	simm.s32 $0x0;
	s31 =	smin.u32 s30, $0x1D;
	[tilespmem:s25+$0x8110] =	vst v5  }
0x7e: {  	[hbm4b:s24+s26] =	stream.linear.scatter [tilespmem:s16], [sflag:$0x3], $0x4000, $0x38;
	[tilespmem:$0x10100] =	vst v63  }
0x7f: {  	s24 =	sshll.u32 s31, $0xE  }
0x80: {  	_ =	swait.ge [sflag:s17], $0x4000;
	s24 =	sadd.s32 s24, s9  }
0x81: {  	[sflag:s17] =	ssyncset.done $0x0;
	s24 =	sshrl.u32 s24, $0x3  }
0x82: {  	[sflag:s17] =	ssyncadd.s32 $0xFFFFC000;
	s24 =	sadd.s32 s1, s24  }
0x83: {  	[tilespmem:s13], [sflag:$0x1] =	stream.linear.gather [hbm4b:s24+s26], $0x4000, $0x38;
	[tilespmem:$0x10100] =	vst v63  }
0x84: {  	s24 =	simm.s32 $0x0  }
0x85: {  	v5 =	vld [tilespmem:s24+$0x4120]  }
0x86: {  	v6 =	vld [tilespmem:s24+$0x4130]  }
0x87: {  	v7 =	vld [tilespmem:s24+$0x4110]  }
0x88: {  	v8 =	vld [tilespmem:s24+$0x4100];
	_ =	sdelay $0x2  }
0x89: {  	v9 =	vmul.f32 $6.553600000e+04, v5;
	v6 =	vmul.f32 $6.553600000e+04, v6  }
0x8a: {  	v5 =	vmul.f32 $6.553600000e+04, v7  }
0x8b: {  	v8 =	vmul.f32 $6.553600000e+04, v8;
	vm0 =	vge.f32 v9, v4;
	vm1 =	vge.f32 v6, v4  }
0x8c: {  	v13 =	vtrunc.f32 v6;
	v7 =	vsel vm0, $0x8, v1;
	v10 =	vsel vm1, $0x8, v1  }
0x8d: {  	vm0 =	vge.f32 v5, v4;
	v11 =	vor.u32 $0x3, v7;
	v12 =	vor.u32 $0x3, v10  }
0x8e: {  	vm1 =	vge.f32 v8, v4;
	v11 =	vperm.xlane v2, v11;
	v12 =	vperm.xlane v2, v12  }
0x8f: {  	v14 =	vtrunc.f32 v8;
	v15 =	vsel vm1, $0x8, v1;
	v16 =	vsel vm0, $0x8, v1  }
0x90: {  	v17 =	vor.u32 $0x3, v15;
	vm0 =	vge.f32 v9, v11;
	vm1 =	vge.f32 v6, v12  }
0x91: {  	v11 =	vor.u32 $0x3, v16;
	v12 =	vsel vm0, $0x4, v1;
	v18 =	vsel vm1, $0x4, v1  }
0x92: {  	v11 =	vperm.xlane v2, v11;
	v7 =	vor.u32 v12, v7;
	v10 =	vor.u32 v18, v10  }
0x93: {  	v12 =	vperm.xlane v2, v17;
	v56 =	vor.u32 $0x1, v7;
	v18 =	vor.u32 $0x1, v10  }
0x94: {  	vm0 =	vge.f32 v5, v11;
	v11 =	vperm.xlane v2, v56;
	v57 =	vperm.xlane v2, v18  }
0x95: {  	v58 =	vtrunc.f32 v9;
	vm1 =	vge.f32 v8, v12;
	v12 =	vsel vm0, $0x4, v1  }
0x96: {  	v19 =	vsel vm1, $0x4, v1;
	vm0 =	vge.f32 v9, v11;
	vm1 =	vge.f32 v6, v57  }
0x97: {  	v11 =	vor.u32 v15, v19;
	v15 =	vsel vm0, $0x2, v1;
	v17 =	vsel vm1, $0x2, v1  }
0x98: {  	v12 =	vor.u32 v12, v16;
	v7 =	vor.u32 v15, v7;
	v10 =	vor.u32 v17, v10  }
0x99: {  	v15 =	vor.u32 $0x1, v11;
	v59 =	vperm.xlane v2, v7;
	v17 =	vperm.xlane v2, v10  }
0x9a: {  	v18 =	vcvt.f32.s32 v58;
	v60 =	vor.u32 $0x1, v12;
	v15 =	vperm.xlane v2, v15  }
0x9b: {  	v19 =	vperm.xlane v2, v60;
	vm0 =	vge.f32 v9, v59;
	vm1 =	vge.f32 v6, v17  }
0x9c: {  	vm2 =	vge.f32 v8, v15;
	v6 =	vsel vm0, $0x1, v1;
	v9 =	vsel vm1, $0x1, v1  }
0x9d: {  	v15 =	vsel vm2, $0x2, v1;
	v6 =	vor.u32 v6, v7;
	v7 =	vor.u32 v9, v10  }
0x9e: {  	v9 =	vor.u32 v15, v11;
	v6 =	vperm.xlane v3, v6;
	v7 =	vperm.xlane v3, v7  }
0x9f: {  	vm0 =	vge.f32 v5, v19;
	v11 =	vcvt.f32.s32 v13;
	v10 =	vperm.xlane v2, v9  }
0xa0: {  	v13 =	vshll.u32 v6, $0x1C;
	v15 =	vshll.u32 v7, $0x1C;
	v61 =	vshra.s32 v7, $0x4  }
0xa1: {  	vm1 =	vge.f32 v8, v10;
	v8 =	vand.u32 $0x7, v6;
	v63 =	vshra.s32 v6, $0x4  }
0xa2: {  	v6 =	vand.u32 $0x7, v7;
	v62 =	vshra.s32 v13, $0x1F;
	v10 =	vsel vm1, $0x1, v1  }
0xa3: {  	v13 =	vshrl.u32 v13, $0x1F;
	v7 =	vor.u32 v10, v9;
	v9 =	vshrl.u32 v15, $0x1F  }
0xa4: {  	v10 =	vshra.s32 v11, v6;
	v6 =	vsel vm0, $0x2, v1;
	v11 =	vshra.s32 v15, $0x1F  }
0xa5: {  	v13 =	vadd.s32 v63, v13;
	v9 =	vadd.s32 v61, v9;
	v7 =	vperm.xlane v3, v7  }
0xa6: {  	v6 =	vor.u32 v6, v12;
	v12 =	vshra.s32 v18, v8;
	v11 =	vxor.u32 v11, v10  }
0xa7: {  	v8 =	vcvt.f32.s32 v14;
	v14 =	vperm.xlane v2, v6;
	v9 =	vadd.s32 v11, v9  }
0xa8: {  	v15 =	vand.u32 $0x7, v7;
	v10 =	vshll.u32 v7, $0x1C;
	v9 =	vcvt.s32.f32 v9  }
0xa9: {  	v8 =	vshra.s32 v8, v15;
	vm0 =	vge.f32 v5, v14;
	v14 =	vxor.u32 v62, v12  }
0xaa: {  	s25 =	simm.s32 $0x100;
	v11 =	vshrl.u32 v10, $0x1F;
	v12 =	vshra.s32 v7, $0x4;
	v7 =	vadd.s32 v14, v13  }
.LBB2_5:
0xab: {  	s26 =	sshra.s32 s25, $0x2;
	p0 =	sne.s32 s25, $0xFF00;
	s25 =	sadd.s32 $0x100, s25;
	v10 =	vshra.s32 v10, $0x1F;
	v11 =	vadd.s32 v12, v11;
	v12 =	vsel vm0, $0x1, v1  }
0xac: {  	v13 =	vld [tilespmem:s26+$0x4130];
	v8 =	vxor.u32 v10, v8;
	v6 =	vor.u32 v12, v6;
	v9 =	vmul.f32 $1.525878910e-05, v9  }
0xad: {  	v5 =	vtrunc.f32 v5;
	v10 =	vld [tilespmem:s26+$0x4120];
	v8 =	vadd.s32 v8, v11;
	v6 =	vperm.xlane v3, v6  }
0xae: {  	v5 =	vcvt.f32.s32 v5;
	v11 =	vld [tilespmem:s26+$0x4110];
	v8 =	vcvt.s32.f32 v8;
	[tilespmem:s24+$0xC130] =	vst v9  }
0xaf: {  	v9 =	vld [tilespmem:s26+$0x4100];
	v12 =	vand.u32 $0x7, v6;
	v14 =	vshll.u32 v6, $0x1C;
	v6 =	vshra.s32 v6, $0x4  }
0xb0: {  	v7 =	vcvt.s32.f32 v7;
	v15 =	vshrl.u32 v14, $0x1F;
	v14 =	vshra.s32 v14, $0x1F  }
0xb1: {  	v12 =	vshra.s32 v5, v12;
	v13 =	vmul.f32 $6.553600000e+04, v13;
	v6 =	vadd.s32 v6, v15  }
0xb2: {  	v7 =	vmul.f32 $1.525878910e-05, v7;
	v10 =	vmul.f32 $6.553600000e+04, v10  }
0xb3: {  	v8 =	vmul.f32 $1.525878910e-05, v8;
	v5 =	vmul.f32 $6.553600000e+04, v11;
	v11 =	vxor.u32 v14, v12  }
0xb4: {  	vm1 =	vge.f32 v13, v4;
	vm0 =	vge.f32 v10, v4;
	v6 =	vadd.s32 v11, v6;
	[tilespmem:s24+$0xC120] =	vst v7  }
0xb5: {  	v11 =	vsel vm1, $0x8, v1;
	v7 =	vsel vm0, $0x8, v1;
	[tilespmem:s24+$0xC100] =	vst v8;
	v6 =	vcvt.s32.f32 v6  }
0xb6: {  	v8 =	vmul.f32 $6.553600000e+04, v9;
	vm0 =	vge.f32 v5, v4;
	v9 =	vor.u32 $0x3, v7  }
0xb7: {  	v12 =	vor.u32 $0x3, v11;
	v9 =	vperm.xlane v2, v9;
	v6 =	vmul.f32 $1.525878910e-05, v6  }
0xb8: {  	v14 =	vtrunc.f32 v13;
	v12 =	vperm.xlane v2, v12;
	vm1 =	vge.f32 v8, v4  }
0xb9: {  	v17 =	vsel vm0, $0x8, v1;
	v15 =	vtrunc.f32 v8;
	v16 =	vsel vm1, $0x8, v1;
	[tilespmem:s24+$0xC110] =	vst v6;
	s24 =	smov.u32 s26  }
0xba: {  	vm1 =	vge.f32 v13, v12;
	v6 =	vor.u32 $0x3, v16;
	vm0 =	vge.f32 v10, v9  }
0xbb: {  	v9 =	vor.u32 $0x3, v17;
	v18 =	vsel vm1, $0x4, v1;
	v12 =	vsel vm0, $0x4, v1  }
0xbc: {  	v9 =	vperm.xlane v2, v9;
	v11 =	vor.u32 v18, v11;
	v7 =	vor.u32 v12, v7  }
0xbd: {  	v6 =	vperm.xlane v2, v6;
	v18 =	vor.u32 $0x1, v11;
	v12 =	vor.u32 $0x1, v7  }
0xbe: {  	vm0 =	vge.f32 v5, v9;
	v9 =	vperm.xlane v2, v12;
	v12 =	vperm.xlane v2, v18  }
0xbf: {  	vm1 =	vge.f32 v8, v6;
	v6 =	vsel vm0, $0x4, v1;
	v18 =	vtrunc.f32 v10  }
0xc0: {  	v19 =	vsel vm1, $0x4, v1;
	vm0 =	vge.f32 v10, v9;
	vm1 =	vge.f32 v13, v12  }
0xc1: {  	v9 =	vor.u32 v16, v19;
	v12 =	vsel vm0, $0x2, v1;
	v16 =	vsel vm1, $0x2, v1  }
0xc2: {  	v6 =	vor.u32 v6, v17;
	v7 =	vor.u32 v12, v7;
	v11 =	vor.u32 v16, v11  }
0xc3: {  	v12 =	vor.u32 $0x1, v9;
	v16 =	vperm.xlane v2, v7;
	v17 =	vperm.xlane v2, v11  }
0xc4: {  	v18 =	vcvt.f32.s32 v18;
	v19 =	vor.u32 $0x1, v6;
	v12 =	vperm.xlane v2, v12  }
0xc5: {  	v19 =	vperm.xlane v2, v19;
	vm0 =	vge.f32 v10, v16;
	vm1 =	vge.f32 v13, v17  }
0xc6: {  	vm2 =	vge.f32 v8, v12;
	v10 =	vsel vm0, $0x1, v1;
	v12 =	vsel vm1, $0x1, v1  }
0xc7: {  	v13 =	vsel vm2, $0x2, v1;
	v7 =	vor.u32 v10, v7;
	v10 =	vor.u32 v12, v11  }
0xc8: {  	v9 =	vor.u32 v13, v9;
	v7 =	vperm.xlane v3, v7;
	v10 =	vperm.xlane v3, v10  }
0xc9: {  	vm0 =	vge.f32 v5, v19;
	v12 =	vcvt.f32.s32 v14;
	v11 =	vperm.xlane v2, v9  }
0xca: {  	v13 =	vshll.u32 v7, $0x1C;
	v14 =	vshll.u32 v10, $0x1C;
	v16 =	vshra.s32 v10, $0x4  }
0xcb: {  	vm1 =	vge.f32 v8, v11;
	v8 =	vand.u32 $0x7, v7;
	v17 =	vshra.s32 v13, $0x1F  }
0xcc: {  	v7 =	vshra.s32 v7, $0x4;
	v10 =	vand.u32 $0x7, v10;
	v11 =	vsel vm1, $0x1, v1  }
0xcd: {  	v10 =	vshra.s32 v12, v10;
	v9 =	vor.u32 v11, v9;
	v11 =	vshrl.u32 v14, $0x1F  }
0xce: {  	v12 =	vsel vm0, $0x2, v1;
	v14 =	vshra.s32 v14, $0x1F;
	v11 =	vadd.s32 v16, v11  }
0xcf: {  	v6 =	vor.u32 v12, v6;
	v12 =	vshra.s32 v18, v8;
	v9 =	vperm.xlane v3, v9  }
.Ltmp1:
0xd0: {  	v13 =	vshrl.u32 v13, $0x1F;
	v8 =	vcvt.f32.s32 v15;
	v15 =	vperm.xlane v2, v6;
	(pc) =	sbr.rel @p0 .LBB2_5-.Ltmp1, $4  }
0xd1: {  	v7 =	vadd.s32 v7, v13;
	v13 =	vxor.u32 v14, v10;
	v16 =	vand.u32 $0x7, v9  }
0xd2: {  	v13 =	vadd.s32 v13, v11;
	v10 =	vshll.u32 v9, $0x1C;
	v8 =	vshra.s32 v8, v16  }
0xd3: {  	v14 =	vxor.u32 v17, v12;
	vm0 =	vge.f32 v5, v15;
	v11 =	vshrl.u32 v10, $0x1F  }
0xd4: {  	v7 =	vadd.s32 v14, v7;
	v12 =	vshra.s32 v9, $0x4;
	v9 =	vcvt.s32.f32 v13  }
0xd5: {  	v13 =	vsel vm0, $0x1, v1  }
0xd6: {  	v11 =	vadd.s32 v12, v11;
	v10 =	vshra.s32 v10, $0x1F;
	v6 =	vor.u32 v13, v6  }
0xd7: {  	v5 =	vtrunc.f32 v5;
	v8 =	vxor.u32 v10, v8;
	v6 =	vperm.xlane v3, v6  }
0xd8: {  	v5 =	vcvt.f32.s32 v5;
	v8 =	vadd.s32 v8, v11  }
0xd9: {  	v61 =	vand.u32 $0x7, v6;
	v62 =	vshll.u32 v6, $0x1C;
	v6 =	vshra.s32 v6, $0x4  }
0xda: {  	v63 =	vshrl.u32 v62, $0x1F;
	v11 =	vshra.s32 v62, $0x1F;
	v5 =	vshra.s32 v5, v61  }
0xdb: {  	v7 =	vcvt.s32.f32 v7;
	v6 =	vadd.s32 v6, v63;
	v5 =	vxor.u32 v11, v5  }
0xdc: {  	v9 =	vmul.f32 $1.525878910e-05, v9;
	v8 =	vcvt.s32.f32 v8;
	v5 =	vadd.s32 v5, v6  }
0xdd: {  	v6 =	vmul.f32 $1.525878910e-05, v7;
	v5 =	vcvt.s32.f32 v5  }
0xde: {  	[tilespmem:s24+$0xC130] =	vst v9;
	v7 =	vmul.f32 $1.525878910e-05, v8  }
0xdf: {  	[tilespmem:s24+$0xC120] =	vst v6;
	v5 =	vmul.f32 $1.525878910e-05, v5  }
0xe0: {  	[tilespmem:s24+$0xC100] =	vst v7  }
0xe1: {  	s23 =	sadd.s32 s2, s23;
	s22 =	sadd.s32 $0x1, s22;
	[tilespmem:s24+$0xC110] =	vst v5  }
0xe2: {  	[hbm4b:s23+s4] =	stream.linear.scatter [tilespmem:s18], [sflag:$0x4], $0x4000, $0x38;
	[tilespmem:$0x10100] =	vst v63  }
0xe3: {  	p0 =	sne.s32 s22, $0x10;
	_ =	swait.ge [sflag:s19], $0x4000  }
.Ltmp2:
0xe4: {  	[sflag:s19] =	ssyncset.done $0x0;
	(pc) =	sbr.rel @p0 .LBB2_2-.Ltmp2, $4  }
0xe5: {  	[sflag:s19] =	ssyncadd.s32 $0xFFFFC000  }
0xe6: {  	_ =	swait.ge [sflag:s20], $0x4000  }
0xe7: {  	[sflag:s20] =	ssyncset.done $0x0  }
0xe8: {  	[sflag:s20] =	ssyncadd.s32 $0xFFFFC000  }
0xe9: {  	s21 =	sadd.s32 $0x1, s21  }
0xea: {  	p0 =	sne.s32 s21, s10  }
.Ltmp3:
0xeb: {  	_ = 	snop;
	(pc) =	sbr.rel @p0 .LBB2_1-.Ltmp3, $4  }
0xec: {  	_ = 	snop  }
0xed: {  	_ =	swait.ge [sflag:s14], $0x4000  }
0xee: {  	[sflag:s14] =	ssyncset.done $0x0  }
0xef: {  	[sflag:s14] =	ssyncadd.s32 $0xFFFFC000  }
0xf0: {  	_ =	sfence.sel $0x180000  }
0xf1: {  	[bflag:$0x0] =	sbarrier.arrive $0xFFFF  }
0xf2: {  	p0 =	sne.s32 s3, $0x0;
	_ =	strace $0x90000047  }
0xf3: {  	s0 =	sadd.s32 @!p0 $0x100000, s0;
	[bflag:$0x2] =	sbarrier.arrive $0xFFFF  }
0xf4: {  	[sflag:s0] =	ssyncadd.tile.s32 @!p0 $0x1;
	_ =	shalt  }
.Lfunc_end2:
_tile_overlayer_lowered:
.L_overlay_start_2:
0xf5: {  	(tag) =	ssettag $0x2  }
0xf6: {  	s0 =	rddreg [dreg:$0x0];
	s2 =	stileid.u32  }
0xf7: {  	s1 =	rddreg [dreg:$0x1];
	p0 =	sne.s32 s2, $0x0  }
0xf8: {  	s3 =	rddreg [dreg:$0x2];
	[bflag:$0x3] =	sbarrier.arrive $0xFFFF;
	s2 =	simm.s32 @!p0 $0x1C05  }
0xf9: {  	[timem:s3], [sflag:s2] =	dma.local @!p0 [hbm:s0], s1  }
0xfa: {  	s0 =	simm.s32 @!p0 $0x5  }
0xfb: {  	_ =	swait.ge @!p0 [sflag:s0], s1  }
0xfc: {  	s1 =	ssub.s32 @!p0 $0x0, s1;
	[sflag:s0] =	ssyncset.done @!p0 $0x0  }
0xfd: {  	[sflag:s0] =	ssyncadd.s32 @!p0 s1  }
0xfe: {  	[bflag:$0x3] =	sbarrier.arrive $0xFFFF  }
0xff: {  	_ =	shalt  }

</sc_bundles>
